<compile_context>
chip_gen: v7x
topology: tpu7x:2x2x1
jax: 0.10.2.dev20260603
libtpu: 0.0.44.dev20260713+nightly
codegen_flags: <defaults>
</compile_context>

<pallas_src>
import functools

import jax
import jax.numpy as jnp
from jax import lax
from jax.experimental import pallas as pl
from jax.experimental.pallas import tpu as pltpu
from jax.experimental.pallas import tpu_sc as plsc

N_NODES = 10000
N_EDGES = 320000
D = 128

NC = 2
NS = 16
NW = NC * NS

CHUNK = 64
REAL_CHUNKS = -(-N_EDGES // (NW * CHUNK))
NBUF = 3
LOOP_CHUNKS = -(-REAL_CHUNKS // NBUF) * NBUF
PAD_CHUNKS = LOOP_CHUNKS + NBUF + 5
EDGES_PER_W = REAL_CHUNKS * CHUNK

N_PAD = 10112
ZERO_ROWS_PER_TILE = N_PAD // NS


def _sc_agg_body(x_hbm, idx_hbm, out_hbm, pk_v, srcs, dsts, rows, agg_sp,
                 sems):
    c = lax.axis_index("c")
    s = lax.axis_index("s")
    wid = c * NS + s

    def unpack(j, src_c, dst_c):
        for k in range(CHUNK // 16):
            v = pk_v[j, pl.ds(k * 16, 16)]
            src_c[pl.ds(k * 16, 16)] = jnp.bitwise_and(v, 0xFFFF)
            dst_c[pl.ds(k * 16, 16)] = lax.shift_right_logical(v, 16)

    zeros16 = jnp.zeros((16,), jnp.float32)

    @pl.loop(0, CHUNK)
    def _(i):
        for k in range(D // 16):
            rows[0][i, pl.ds(k * 16, 16)] = zeros16

    z0 = s * ZERO_ROWS_PER_TILE

    @pl.loop(0, ZERO_ROWS_PER_TILE // CHUNK)
    def _(i):
        pltpu.sync_copy(rows[0], agg_sp.at[pl.ds(z0 + i * CHUNK, CHUNK)])

    TAIL = ZERO_ROWS_PER_TILE % CHUNK
    if TAIL:
        t0 = z0 + ZERO_ROWS_PER_TILE - TAIL
        pltpu.sync_copy(rows[0].at[pl.ds(0, TAIL)], agg_sp.at[pl.ds(t0, TAIL)])

    plsc.subcore_barrier()

    pltpu.sync_copy(idx_hbm.at[wid], pk_v)
    for b in range(NBUF):
        unpack(b, srcs[b], dsts[b])
        pltpu.async_copy(x_hbm.at[srcs[b]], rows[b], sems[b])

    @pl.loop(0, LOOP_CHUNKS, step=NBUF)
    def _(g):
        for b in range(NBUF):
            pltpu.make_async_copy(x_hbm.at[srcs[b]], rows[b], sems[b]).wait()
            pltpu.sync_copy(rows[b], agg_sp.at[dsts[b]], add=True)
            unpack(g + b + NBUF, srcs[b], dsts[b])
            pltpu.async_copy(x_hbm.at[srcs[b]], rows[b], sems[b])

    for b in range(NBUF):
        pltpu.make_async_copy(x_hbm.at[srcs[b]], rows[b], sems[b]).wait()

    plsc.subcore_barrier()

    @pl.loop(0, ZERO_ROWS_PER_TILE // CHUNK)
    def _(i):
        r = z0 + i * CHUNK
        pltpu.sync_copy(agg_sp.at[pl.ds(r, CHUNK)], out_hbm.at[c, pl.ds(r, CHUNK)])

    if TAIL:
        t1 = z0 + ZERO_ROWS_PER_TILE - TAIL
        pltpu.sync_copy(agg_sp.at[pl.ds(t1, TAIL)], out_hbm.at[c, pl.ds(t1, TAIL)])


@functools.partial(
    pl.kernel,
    out_type=jax.ShapeDtypeStruct((NC, N_PAD, D), jnp.float32),
    mesh=plsc.VectorSubcoreMesh(core_axis_name="c", subcore_axis_name="s",
                                num_cores=NC),
    scratch_types=(
        [pltpu.VMEM((PAD_CHUNKS, CHUNK), jnp.int32)]
        + [pltpu.VMEM((CHUNK,), jnp.int32)] * (2 * NBUF)
        + [pltpu.VMEM((CHUNK, D), jnp.float32)] * NBUF
        + [pltpu.VMEM_SHARED((N_PAD, D), jnp.float32)]
        + [pltpu.SemaphoreType.DMA] * NBUF
    ),
)
def _sc_aggregate(x_hbm, idx_hbm, out_hbm, pk_v, *rest):
    srcs = rest[0:2 * NBUF:2]
    dsts = rest[1:2 * NBUF:2]
    rows = rest[2 * NBUF:3 * NBUF]
    agg_sp = rest[3 * NBUF]
    sems = rest[3 * NBUF + 1:]
    _sc_agg_body(x_hbm, idx_hbm, out_hbm, pk_v, srcs, dsts, rows, agg_sp,
                 sems)


def _mlp_body(*refs):
    x_ref = refs[0]
    aggs = refs[1:1 + NC]
    w1_ref, b1_ref, w2_ref, b2_ref, o_ref = refs[1 + NC:]
    xb = x_ref[...]
    h = xb
    for a in aggs:
        h = h + a[0]
    h = jnp.dot(h, w1_ref[...], preferred_element_type=jnp.float32) + b1_ref[...]
    h = jnp.maximum(h, 0.0)
    h = jnp.dot(h, w2_ref[...], preferred_element_type=jnp.float32) + b2_ref[...]
    o_ref[...] = xb + jnp.maximum(h, 0.0)


ROW_BLOCK = 1000


def _mlp(x, aggs, W1, b1, W2, b2):
    grid = (N_NODES // ROW_BLOCK,)
    rows = lambda i: (i, 0)
    full = lambda i: (0, 0)
    agg3 = lambda cc: pl.BlockSpec((1, ROW_BLOCK, D), lambda i, _c=cc: (_c, i, 0))
    return pl.pallas_call(
        _mlp_body,
        grid=grid,
        in_specs=[pl.BlockSpec((ROW_BLOCK, D), rows)]
        + [agg3(cc) for cc in range(NC)] + [
            pl.BlockSpec((D, D), full),
            pl.BlockSpec((1, D), full),
            pl.BlockSpec((D, D), full),
            pl.BlockSpec((1, D), full),
        ],
        out_specs=pl.BlockSpec((ROW_BLOCK, D), rows),
        out_shape=jax.ShapeDtypeStruct((N_NODES, D), jnp.float32),
    )(x, *aggs, W1, b1, W2, b2)


def kernel(x, edge_index, W1, b1, W2, b2):
    src = edge_index[0].astype(jnp.int32)
    dst = edge_index[1].astype(jnp.int32)

    pad = NW * EDGES_PER_W - N_EDGES
    packed = jnp.bitwise_or(src, lax.shift_left(dst, 16))
    dummy = jnp.int32(N_NODES << 16)
    packed = jnp.concatenate([packed, jnp.full((pad,), dummy, jnp.int32)])
    packed = packed.reshape(NW, REAL_CHUNKS, CHUNK)
    packed = jnp.pad(packed, ((0, 0), (0, PAD_CHUNKS - REAL_CHUNKS), (0, 0)),
                     constant_values=dummy)

    packed = pltpu.with_memory_space_constraint(packed, pltpu.HBM)
    agg = _sc_aggregate(x, packed)
    return _mlp(x, [agg] * NC, W1, b1.reshape(1, D), W2, b2.reshape(1, D))

# --- scband reference (transcript-rebuilt; emitter-appended) ---
"""Pipeline reference for scband-ginconv-layer-80711025426653 (READ-ONLY COPY).

The authoritative reference and input builder live on the scoring server;
editing this copy changes nothing except your own understanding.
"""

import jax, jax.numpy as jnp
import numpy as np

N_NODES = 10000
N_EDGES = 320000
D_IN = 128
D_OUT = 128


def setup_inputs(seed: int = 0) -> dict:
    key = jax.random.key(seed)
    k_x, k_e, k_w1, k_b1, k_w2, k_b2 = jax.random.split(key, 6)
    x = jax.random.normal(k_x, (N_NODES, D_IN), dtype=jnp.float32)
    edge_index = jax.random.randint(k_e, (2, N_EDGES), 0, N_NODES, dtype=jnp.int64)
    # GIN MLP params: Linear(dim_in, dim_out) -> ReLU -> Linear(dim_out, dim_out)
    s1 = 1.0 / np.sqrt(D_IN)
    s2 = 1.0 / np.sqrt(D_OUT)
    W1 = jax.random.uniform(k_w1, (D_IN, D_OUT), dtype=jnp.float32, minval=-s1, maxval=s1)
    b1 = jax.random.uniform(k_b1, (D_OUT,), dtype=jnp.float32, minval=-s1, maxval=s1)
    W2 = jax.random.uniform(k_w2, (D_OUT, D_OUT), dtype=jnp.float32, minval=-s2, maxval=s2)
    b2 = jax.random.uniform(k_b2, (D_OUT,), dtype=jnp.float32, minval=-s2, maxval=s2)
    return {"x": x, "edge_index": edge_index, "W1": W1, "b1": b1, "W2": W2, "b2": b2}


def reference(x, edge_index, W1, b1, W2, b2):
    # GINConv (eps=0, train_eps=False): h = nn((1 + eps) * x + sum_{j in N(i)} x_j)
    src = edge_index[0]
    dst = edge_index[1]
    messages = jnp.take(x, src, axis=0)                      # gather: [E, d]
    agg = jax.ops.segment_sum(messages, dst, num_segments=N_NODES)  # scatter-add
    h = x + agg                                               # (1 + eps) * x with eps=0
    h = jnp.maximum(h @ W1 + b1, 0.0)                         # Linear + ReLU
    h = h @ W2 + b2                                           # Linear
    out = jnp.maximum(h, 0.0)                                 # F.relu after conv
    out = x + out                                             # residual=True
    return out

if __name__ == "__main__":
    import jax
    _d = setup_inputs()
    print(jax.jit(kernel)(*tuple(_d.values())))

</pallas_src>

<mosaic_0001>
#map = affine_map<(d0, d1) -> (0, 0)>
#map1 = affine_map<(d0, d1) -> (0, 0, 0)>
module attributes {stable_mosaic.version = 14 : i64} {
  func.func @_sc_aggregate(%arg0: i32, %arg1: i32, %arg2: memref<10000x128xf32, #tpu.memory_space<hbm>>, %arg3: memref<32x167x64xi32, #tpu.memory_space<hbm>>, %arg4: memref<2x10112x128xf32, #tpu.memory_space<hbm>>, %arg5: memref<167x64xi32, #tpu.memory_space<vmem>>, %arg6: memref<64xi32, #tpu.memory_space<vmem>>, %arg7: memref<64xi32, #tpu.memory_space<vmem>>, %arg8: memref<64xi32, #tpu.memory_space<vmem>>, %arg9: memref<64xi32, #tpu.memory_space<vmem>>, %arg10: memref<64xi32, #tpu.memory_space<vmem>>, %arg11: memref<64xi32, #tpu.memory_space<vmem>>, %arg12: memref<64x128xf32, #tpu.memory_space<vmem>>, %arg13: memref<64x128xf32, #tpu.memory_space<vmem>>, %arg14: memref<64x128xf32, #tpu.memory_space<vmem>>, %arg15: memref<10112x128xf32, #tpu.memory_space<vmem_shared>>, %arg16: memref<!tpu.dma_semaphore, #tpu.memory_space<semaphore_mem>>, %arg17: memref<!tpu.dma_semaphore, #tpu.memory_space<semaphore_mem>>, %arg18: memref<!tpu.dma_semaphore, #tpu.memory_space<semaphore_mem>>) attributes {dimension_semantics = [#tpu.dimension_semantics<core_parallel>, #tpu.dimension_semantics<subcore_parallel>], iteration_bounds = array<i64: 2, 16>, scalar_prefetch = 0 : i64, scratch_operands = 14 : i64, tpu.core_type = #tpu.core_type<sc_vector_subcore>, window_params = [{transform_indices = #map}, {transform_indices = #map1}, {transform_indices = #map1}]} {
    %mul3A = arith.constant 16 : i32
    %mul3A_0 = arith.muli %arg0, %mul3A : i32
    %add3A = arith.addi %mul3A_0, %arg1 : i32
    %broadcast_in_dim3A = arith.constant 0.000000e+00 : f32
    %broadcast_in_dim3A_1 = vector.broadcast %broadcast_in_dim3A : f32 to vector<16xf32>
    %scan3A = arith.constant 0 : i32
    %scan3A_2 = arith.constant 64 : i32
    %scan3A_3 = arith.addi %scan3A, %scan3A_2 : i32
    %scan3A_4 = arith.constant 1 : i32
    scf.for %scan3A_271 = %scan3A to %scan3A_3 step %scan3A_4  : i32 {
      %mul3A_272 = arith.constant 1 : i32
      %mul3A_273 = arith.muli %scan3A_271, %mul3A_272 : i32
      %add3A_274 = arith.constant 0 : i32
      %add3A_275 = arith.addi %add3A_274, %mul3A_273 : i32
      %swap3A_276 = arith.index_cast %add3A_275 : i32 to index
      %swap3A_277 = arith.constant 0 : index
      %swap3A_278 = tpu.vector_load %arg12[%swap3A_276, %swap3A_277] {strides = array<i32>} : memref<64x128xf32, #tpu.memory_space<vmem>>, vector<1x16xf32>,
      %swap3A_279 = vector.shape_cast %swap3A_278 : vector<1x16xf32> to vector<16xf32>
      %swap3A_280 = vector.shape_cast %broadcast_in_dim3A_1 : vector<16xf32> to vector<1x16xf32>
      tpu.vector_store %arg12[%swap3A_276, %swap3A_277], %swap3A_280 {strides = array<i32>} : memref<64x128xf32, #tpu.memory_space<vmem>>, vector<1x16xf32>,
      %swap3A_281 = arith.index_cast %add3A_275 : i32 to index
      %swap3A_282 = arith.constant 16 : index
      %swap3A_283 = tpu.vector_load %arg12[%swap3A_281, %swap3A_282] {strides = array<i32>} : memref<64x128xf32, #tpu.memory_space<vmem>>, vector<1x16xf32>,
      %swap3A_284 = vector.shape_cast %swap3A_283 : vector<1x16xf32> to vector<16xf32>
      %swap3A_285 = vector.shape_cast %broadcast_in_dim3A_1 : vector<16xf32> to vector<1x16xf32>
      tpu.vector_store %arg12[%swap3A_281, %swap3A_282], %swap3A_285 {strides = array<i32>} : memref<64x128xf32, #tpu.memory_space<vmem>>, vector<1x16xf32>,
      %swap3A_286 = arith.index_cast %add3A_275 : i32 to index
      %swap3A_287 = arith.constant 32 : index
      %swap3A_288 = tpu.vector_load %arg12[%swap3A_286, %swap3A_287] {strides = array<i32>} : memref<64x128xf32, #tpu.memory_space<vmem>>, vector<1x16xf32>,
      %swap3A_289 = vector.shape_cast %swap3A_288 : vector<1x16xf32> to vector<16xf32>
      %swap3A_290 = vector.shape_cast %broadcast_in_dim3A_1 : vector<16xf32> to vector<1x16xf32>
      tpu.vector_store %arg12[%swap3A_286, %swap3A_287], %swap3A_290 {strides = array<i32>} : memref<64x128xf32, #tpu.memory_space<vmem>>, vector<1x16xf32>,
      %swap3A_291 = arith.index_cast %add3A_275 : i32 to index
      %swap3A_292 = arith.constant 48 : index
      %swap3A_293 = tpu.vector_load %arg12[%swap3A_291, %swap3A_292] {strides = array<i32>} : memref<64x128xf32, #tpu.memory_space<vmem>>, vector<1x16xf32>,
      %swap3A_294 = vector.shape_cast %swap3A_293 : vector<1x16xf32> to vector<16xf32>
      %swap3A_295 = vector.shape_cast %broadcast_in_dim3A_1 : vector<16xf32> to vector<1x16xf32>
      tpu.vector_store %arg12[%swap3A_291, %swap3A_292], %swap3A_295 {strides = array<i32>} : memref<64x128xf32, #tpu.memory_space<vmem>>, vector<1x16xf32>,
      %swap3A_296 = arith.index_cast %add3A_275 : i32 to index
      %swap3A_297 = arith.constant 64 : index
      %swap3A_298 = tpu.vector_load %arg12[%swap3A_296, %swap3A_297] {strides = array<i32>} : memref<64x128xf32, #tpu.memory_space<vmem>>, vector<1x16xf32>,
      %swap3A_299 = vector.shape_cast %swap3A_298 : vector<1x16xf32> to vector<16xf32>
      %swap3A_300 = vector.shape_cast %broadcast_in_dim3A_1 : vector<16xf32> to vector<1x16xf32>
      tpu.vector_store %arg12[%swap3A_296, %swap3A_297], %swap3A_300 {strides = array<i32>} : memref<64x128xf32, #tpu.memory_space<vmem>>, vector<1x16xf32>,
      %swap3A_301 = arith.index_cast %add3A_275 : i32 to index
      %swap3A_302 = arith.constant 80 : index
      %swap3A_303 = tpu.vector_load %arg12[%swap3A_301, %swap3A_302] {strides = array<i32>} : memref<64x128xf32, #tpu.memory_space<vmem>>, vector<1x16xf32>,
      %swap3A_304 = vector.shape_cast %swap3A_303 : vector<1x16xf32> to vector<16xf32>
      %swap3A_305 = vector.shape_cast %broadcast_in_dim3A_1 : vector<16xf32> to vector<1x16xf32>
      tpu.vector_store %arg12[%swap3A_301, %swap3A_302], %swap3A_305 {strides = array<i32>} : memref<64x128xf32, #tpu.memory_space<vmem>>, vector<1x16xf32>,
      %swap3A_306 = arith.index_cast %add3A_275 : i32 to index
      %swap3A_307 = arith.constant 96 : index
      %swap3A_308 = tpu.vector_load %arg12[%swap3A_306, %swap3A_307] {strides = array<i32>} : memref<64x128xf32, #tpu.memory_space<vmem>>, vector<1x16xf32>,
      %swap3A_309 = vector.shape_cast %swap3A_308 : vector<1x16xf32> to vector<16xf32>
      %swap3A_310 = vector.shape_cast %broadcast_in_dim3A_1 : vector<16xf32> to vector<1x16xf32>
      tpu.vector_store %arg12[%swap3A_306, %swap3A_307], %swap3A_310 {strides = array<i32>} : memref<64x128xf32, #tpu.memory_space<vmem>>, vector<1x16xf32>,
      %swap3A_311 = arith.index_cast %add3A_275 : i32 to index
      %swap3A_312 = arith.constant 112 : index
      %swap3A_313 = tpu.vector_load %arg12[%swap3A_311, %swap3A_312] {strides = array<i32>} : memref<64x128xf32, #tpu.memory_space<vmem>>, vector<1x16xf32>,
      %swap3A_314 = vector.shape_cast %swap3A_313 : vector<1x16xf32> to vector<16xf32>
      %swap3A_315 = vector.shape_cast %broadcast_in_dim3A_1 : vector<16xf32> to vector<1x16xf32>
      tpu.vector_store %arg12[%swap3A_311, %swap3A_312], %swap3A_315 {strides = array<i32>} : memref<64x128xf32, #tpu.memory_space<vmem>>, vector<1x16xf32>,
    }
    %scan3A_5 = arith.constant 64 : i32
    %mul3A_6 = arith.constant 632 : i32
    %mul3A_7 = arith.muli %arg1, %mul3A_6 : i32
    %scan3A_8 = arith.constant 0 : i32
    %scan3A_9 = arith.constant 9 : i32
    %scan3A_10 = arith.addi %scan3A_8, %scan3A_9 : i32
    %scan3A_11 = arith.constant 1 : i32
    scf.for %scan3A_271 = %scan3A_8 to %scan3A_10 step %scan3A_11  : i32 {
      %mul3A_272 = arith.constant 1 : i32
      %mul3A_273 = arith.muli %scan3A_271, %mul3A_272 : i32
      %add3A_274 = arith.constant 0 : i32
      %add3A_275 = arith.addi %add3A_274, %mul3A_273 : i32
      %mul3A_276 = arith.constant 64 : i32
      %mul3A_277 = arith.muli %add3A_275, %mul3A_276 : i32
      %add3A_278 = arith.addi %mul3A_7, %mul3A_277 : i32
      "tpu.region"() ({
        %run_scoped3A = tpu.sem_alloc : memref<!tpu.dma_semaphore, #tpu.memory_space<semaphore_mem>>
        %dma_start3A_279 = arith.constant 0 : i32
        %dma_start3A_280 = tpu.memref_slice %arg15[%add3A_278, %dma_start3A_279] : memref<10112x128xf32, #tpu.memory_space<vmem_shared>> -> memref<64x128xf32, #tpu.memory_space<vmem_shared>>
        %dma_start3A_281 = arith.constant 0 : i32
        %dma_start3A_282 = tpu.memref_slice %arg15[%add3A_278, %dma_start3A_281] : memref<10112x128xf32, #tpu.memory_space<vmem_shared>> -> memref<64x128xf32, #tpu.memory_space<vmem_shared>>
        tpu.enqueue_dma source(%arg12 : memref<64x128xf32, #tpu.memory_space<vmem>>) target(%dma_start3A_282 : memref<64x128xf32, #tpu.memory_space<vmem_shared>>) target_semaphore(%run_scoped3A : memref<!tpu.dma_semaphore, #tpu.memory_space<semaphore_mem>>)
        %dma_wait3A_283 = arith.constant 0 : i32
        %dma_wait3A_284 = tpu.memref_slice %arg15[%add3A_278, %dma_wait3A_283] : memref<10112x128xf32, #tpu.memory_space<vmem_shared>> -> memref<64x128xf32, #tpu.memory_space<vmem_shared>>
        %dma_wait3A_285 = arith.constant 0 : i32
        %dma_wait3A_286 = tpu.memref_slice %arg15[%add3A_278, %dma_wait3A_285] : memref<10112x128xf32, #tpu.memory_space<vmem_shared>> -> memref<64x128xf32, #tpu.memory_space<vmem_shared>>
        tpu.wait_dma2 semaphore(%run_scoped3A : memref<!tpu.dma_semaphore, #tpu.memory_space<semaphore_mem>>) src(%arg12 : memref<64x128xf32, #tpu.memory_space<vmem>>) dst(%dma_wait3A_286 : memref<64x128xf32, #tpu.memory_space<vmem_shared>>)
        tpu.yield
      }) : () -> ()
    }
    %scan3A_12 = arith.constant 9 : i32
    %add3A_13 = arith.constant 632 : i32
    %add3A_14 = arith.addi %mul3A_7, %add3A_13 : i32
    %sub3A = arith.constant 56 : i32
    %sub3A_15 = arith.subi %add3A_14, %sub3A : i32
    "tpu.region"() ({
      %run_scoped3A = tpu.sem_alloc : memref<!tpu.dma_semaphore, #tpu.memory_space<semaphore_mem>>
      %dma_start3A_271 = arith.constant 0 : i32
      %dma_start3A_272 = arith.constant 0 : i32
      %dma_start3A_273 = tpu.memref_slice %arg12[%dma_start3A_271, %dma_start3A_272] : memref<64x128xf32, #tpu.memory_space<vmem>> -> memref<56x128xf32, #tpu.memory_space<vmem>>
      %dma_start3A_274 = arith.constant 0 : i32
      %dma_start3A_275 = tpu.memref_slice %arg15[%sub3A_15, %dma_start3A_274] : memref<10112x128xf32, #tpu.memory_space<vmem_shared>> -> memref<56x128xf32, #tpu.memory_space<vmem_shared>>
      %dma_start3A_276 = arith.constant 0 : i32
      %dma_start3A_277 = tpu.memref_slice %arg15[%sub3A_15, %dma_start3A_276] : memref<10112x128xf32, #tpu.memory_space<vmem_shared>> -> memref<56x128xf32, #tpu.memory_space<vmem_shared>>
      %dma_start3A_278 = arith.constant 0 : i32
      %dma_start3A_279 = arith.constant 0 : i32
      %dma_start3A_280 = tpu.memref_slice %arg12[%dma_start3A_278, %dma_start3A_279] : memref<64x128xf32, #tpu.memory_space<vmem>> -> memref<56x128xf32, #tpu.memory_space<vmem>>
      tpu.enqueue_dma source(%dma_start3A_280 : memref<56x128xf32, #tpu.memory_space<vmem>>) target(%dma_start3A_277 : memref<56x128xf32, #tpu.memory_space<vmem_shared>>) target_semaphore(%run_scoped3A : memref<!tpu.dma_semaphore, #tpu.memory_space<semaphore_mem>>)
      %dma_wait3A_281 = arith.constant 0 : i32
      %dma_wait3A_282 = arith.constant 0 : i32
      %dma_wait3A_283 = tpu.memref_slice %arg12[%dma_wait3A_281, %dma_wait3A_282] : memref<64x128xf32, #tpu.memory_space<vmem>> -> memref<56x128xf32, #tpu.memory_space<vmem>>
      %dma_wait3A_284 = arith.constant 0 : i32
      %dma_wait3A_285 = tpu.memref_slice %arg15[%sub3A_15, %dma_wait3A_284] : memref<10112x128xf32, #tpu.memory_space<vmem_shared>> -> memref<56x128xf32, #tpu.memory_space<vmem_shared>>
      %dma_wait3A_286 = arith.constant 0 : i32
      %dma_wait3A_287 = tpu.memref_slice %arg15[%sub3A_15, %dma_wait3A_286] : memref<10112x128xf32, #tpu.memory_space<vmem_shared>> -> memref<56x128xf32, #tpu.memory_space<vmem_shared>>
      %dma_wait3A_288 = arith.constant 0 : i32
      %dma_wait3A_289 = arith.constant 0 : i32
      %dma_wait3A_290 = tpu.memref_slice %arg12[%dma_wait3A_288, %dma_wait3A_289] : memref<64x128xf32, #tpu.memory_space<vmem>> -> memref<56x128xf32, #tpu.memory_space<vmem>>
      tpu.wait_dma2 semaphore(%run_scoped3A : memref<!tpu.dma_semaphore, #tpu.memory_space<semaphore_mem>>) src(%dma_wait3A_290 : memref<56x128xf32, #tpu.memory_space<vmem>>) dst(%dma_wait3A_287 : memref<56x128xf32, #tpu.memory_space<vmem_shared>>)
      tpu.yield
    }) : () -> ()
    %barrier3A = arith.constant 0 : index
    tpu.barrier barrier_id(%barrier3A)
    "tpu.region"() ({
      %run_scoped3A = tpu.sem_alloc : memref<!tpu.dma_semaphore, #tpu.memory_space<semaphore_mem>>
      %dma_start3A_271 = arith.constant 0 : i32
      %dma_start3A_272 = arith.constant 0 : i32
      %dma_start3A_273 = tpu.memref_slice %arg3[%add3A, %dma_start3A_271, %dma_start3A_272] : memref<32x167x64xi32, #tpu.memory_space<hbm>> -> memref<1x167x64xi32, #tpu.memory_space<hbm>>
      %dma_start3A_274 = tpu.memref_squeeze %dma_start3A_273 : memref<1x167x64xi32, #tpu.memory_space<hbm>> -> memref<167x64xi32, #tpu.memory_space<hbm>>
      %dma_start3A_275 = arith.constant 0 : i32
      %dma_start3A_276 = arith.constant 0 : i32
      %dma_start3A_277 = tpu.memref_slice %arg3[%add3A, %dma_start3A_275, %dma_start3A_276] : memref<32x167x64xi32, #tpu.memory_space<hbm>> -> memref<1x167x64xi32, #tpu.memory_space<hbm>>
      %dma_start3A_278 = tpu.memref_squeeze %dma_start3A_277 : memref<1x167x64xi32, #tpu.memory_space<hbm>> -> memref<167x64xi32, #tpu.memory_space<hbm>>
      tpu.enqueue_dma source(%dma_start3A_278 : memref<167x64xi32, #tpu.memory_space<hbm>>) target(%arg5 : memref<167x64xi32, #tpu.memory_space<vmem>>) target_semaphore(%run_scoped3A : memref<!tpu.dma_semaphore, #tpu.memory_space<semaphore_mem>>)
      %dma_wait3A_279 = arith.constant 0 : i32
      %dma_wait3A_280 = arith.constant 0 : i32
      %dma_wait3A_281 = tpu.memref_slice %arg3[%add3A, %dma_wait3A_279, %dma_wait3A_280] : memref<32x167x64xi32, #tpu.memory_space<hbm>> -> memref<1x167x64xi32, #tpu.memory_space<hbm>>
      %dma_wait3A_282 = tpu.memref_squeeze %dma_wait3A_281 : memref<1x167x64xi32, #tpu.memory_space<hbm>> -> memref<167x64xi32, #tpu.memory_space<hbm>>
      %dma_wait3A_283 = arith.constant 0 : i32
      %dma_wait3A_284 = arith.constant 0 : i32
      %dma_wait3A_285 = tpu.memref_slice %arg3[%add3A, %dma_wait3A_283, %dma_wait3A_284] : memref<32x167x64xi32, #tpu.memory_space<hbm>> -> memref<1x167x64xi32, #tpu.memory_space<hbm>>
      %dma_wait3A_286 = tpu.memref_squeeze %dma_wait3A_285 : memref<1x167x64xi32, #tpu.memory_space<hbm>> -> memref<167x64xi32, #tpu.memory_space<hbm>>
      tpu.wait_dma2 semaphore(%run_scoped3A : memref<!tpu.dma_semaphore, #tpu.memory_space<semaphore_mem>>) src(%dma_wait3A_286 : memref<167x64xi32, #tpu.memory_space<hbm>>) dst(%arg5 : memref<167x64xi32, #tpu.memory_space<vmem>>)
      tpu.yield
    }) : () -> ()
    %get3A = arith.constant 0 : i32
    %get3A_16 = arith.index_cast %get3A : i32 to index
    %get3A_17 = arith.constant 0 : index
    %get3A_18 = tpu.vector_load %arg5[%get3A_16, %get3A_17] {strides = array<i32>} : memref<167x64xi32, #tpu.memory_space<vmem>>, vector<1x16xi32>,
    %get3A_19 = vector.shape_cast %get3A_18 : vector<1x16xi32> to vector<16xi32>
    %and3A = arith.constant 65535 : i32
    %and3A_20 = vector.broadcast %and3A : i32 to vector<16xi32>
    %and3A_21 = arith.andi %get3A_19, %and3A_20 : vector<16xi32>
    %swap3A = arith.constant 0 : index
    %swap3A_22 = tpu.vector_load %arg6[%swap3A] {strides = array<i32>} : memref<64xi32, #tpu.memory_space<vmem>>, vector<16xi32>,
    %swap3A_23 = vector.shape_cast %swap3A_22 : vector<16xi32> to vector<16xi32>
    %swap3A_24 = vector.shape_cast %and3A_21 : vector<16xi32> to vector<16xi32>
    tpu.vector_store %arg6[%swap3A], %swap3A_24 {strides = array<i32>} : memref<64xi32, #tpu.memory_space<vmem>>, vector<16xi32>,
    %shift_right_logical3A = arith.constant 16 : i32
    %shift_right_logical3A_25 = vector.broadcast %shift_right_logical3A : i32 to vector<16xi32>
    %shift_right_logical3A_26 = arith.shrui %get3A_19, %shift_right_logical3A_25 : vector<16xi32>
    %swap3A_27 = arith.constant 0 : index
    %swap3A_28 = tpu.vector_load %arg7[%swap3A_27] {strides = array<i32>} : memref<64xi32, #tpu.memory_space<vmem>>, vector<16xi32>,
    %swap3A_29 = vector.shape_cast %swap3A_28 : vector<16xi32> to vector<16xi32>
    %swap3A_30 = vector.shape_cast %shift_right_logical3A_26 : vector<16xi32> to vector<16xi32>
    tpu.vector_store %arg7[%swap3A_27], %swap3A_30 {strides = array<i32>} : memref<64xi32, #tpu.memory_space<vmem>>, vector<16xi32>,
    %get3A_31 = arith.constant 0 : i32
    %get3A_32 = arith.index_cast %get3A_31 : i32 to index
    %get3A_33 = arith.constant 16 : index
    %get3A_34 = tpu.vector_load %arg5[%get3A_32, %get3A_33] {strides = array<i32>} : memref<167x64xi32, #tpu.memory_space<vmem>>, vector<1x16xi32>,
    %get3A_35 = vector.shape_cast %get3A_34 : vector<1x16xi32> to vector<16xi32>
    %and3A_36 = arith.constant 65535 : i32
    %and3A_37 = vector.broadcast %and3A_36 : i32 to vector<16xi32>
    %and3A_38 = arith.andi %get3A_35, %and3A_37 : vector<16xi32>
    %swap3A_39 = arith.constant 16 : index
    %swap3A_40 = tpu.vector_load %arg6[%swap3A_39] {strides = array<i32>} : memref<64xi32, #tpu.memory_space<vmem>>, vector<16xi32>,
    %swap3A_41 = vector.shape_cast %swap3A_40 : vector<16xi32> to vector<16xi32>
    %swap3A_42 = vector.shape_cast %and3A_38 : vector<16xi32> to vector<16xi32>
    tpu.vector_store %arg6[%swap3A_39], %swap3A_42 {strides = array<i32>} : memref<64xi32, #tpu.memory_space<vmem>>, vector<16xi32>,
    %shift_right_logical3A_43 = arith.constant 16 : i32
    %shift_right_logical3A_44 = vector.broadcast %shift_right_logical3A_43 : i32 to vector<16xi32>
    %shift_right_logical3A_45 = arith.shrui %get3A_35, %shift_right_logical3A_44 : vector<16xi32>
    %swap3A_46 = arith.constant 16 : index
    %swap3A_47 = tpu.vector_load %arg7[%swap3A_46] {strides = array<i32>} : memref<64xi32, #tpu.memory_space<vmem>>, vector<16xi32>,
    %swap3A_48 = vector.shape_cast %swap3A_47 : vector<16xi32> to vector<16xi32>
    %swap3A_49 = vector.shape_cast %shift_right_logical3A_45 : vector<16xi32> to vector<16xi32>
    tpu.vector_store %arg7[%swap3A_46], %swap3A_49 {strides = array<i32>} : memref<64xi32, #tpu.memory_space<vmem>>, vector<16xi32>,
    %get3A_50 = arith.constant 0 : i32
    %get3A_51 = arith.index_cast %get3A_50 : i32 to index
    %get3A_52 = arith.constant 32 : index
    %get3A_53 = tpu.vector_load %arg5[%get3A_51, %get3A_52] {strides = array<i32>} : memref<167x64xi32, #tpu.memory_space<vmem>>, vector<1x16xi32>,
    %get3A_54 = vector.shape_cast %get3A_53 : vector<1x16xi32> to vector<16xi32>
    %and3A_55 = arith.constant 65535 : i32
    %and3A_56 = vector.broadcast %and3A_55 : i32 to vector<16xi32>
    %and3A_57 = arith.andi %get3A_54, %and3A_56 : vector<16xi32>
    %swap3A_58 = arith.constant 32 : index
    %swap3A_59 = tpu.vector_load %arg6[%swap3A_58] {strides = array<i32>} : memref<64xi32, #tpu.memory_space<vmem>>, vector<16xi32>,
    %swap3A_60 = vector.shape_cast %swap3A_59 : vector<16xi32> to vector<16xi32>
    %swap3A_61 = vector.shape_cast %and3A_57 : vector<16xi32> to vector<16xi32>
    tpu.vector_store %arg6[%swap3A_58], %swap3A_61 {strides = array<i32>} : memref<64xi32, #tpu.memory_space<vmem>>, vector<16xi32>,
    %shift_right_logical3A_62 = arith.constant 16 : i32
    %shift_right_logical3A_63 = vector.broadcast %shift_right_logical3A_62 : i32 to vector<16xi32>
    %shift_right_logical3A_64 = arith.shrui %get3A_54, %shift_right_logical3A_63 : vector<16xi32>
    %swap3A_65 = arith.constant 32 : index
    %swap3A_66 = tpu.vector_load %arg7[%swap3A_65] {strides = array<i32>} : memref<64xi32, #tpu.memory_space<vmem>>, vector<16xi32>,
    %swap3A_67 = vector.shape_cast %swap3A_66 : vector<16xi32> to vector<16xi32>
    %swap3A_68 = vector.shape_cast %shift_right_logical3A_64 : vector<16xi32> to vector<16xi32>
    tpu.vector_store %arg7[%swap3A_65], %swap3A_68 {strides = array<i32>} : memref<64xi32, #tpu.memory_space<vmem>>, vector<16xi32>,
    %get3A_69 = arith.constant 0 : i32
    %get3A_70 = arith.index_cast %get3A_69 : i32 to index
    %get3A_71 = arith.constant 48 : index
    %get3A_72 = tpu.vector_load %arg5[%get3A_70, %get3A_71] {strides = array<i32>} : memref<167x64xi32, #tpu.memory_space<vmem>>, vector<1x16xi32>,
    %get3A_73 = vector.shape_cast %get3A_72 : vector<1x16xi32> to vector<16xi32>
    %and3A_74 = arith.constant 65535 : i32
    %and3A_75 = vector.broadcast %and3A_74 : i32 to vector<16xi32>
    %and3A_76 = arith.andi %get3A_73, %and3A_75 : vector<16xi32>
    %swap3A_77 = arith.constant 48 : index
    %swap3A_78 = tpu.vector_load %arg6[%swap3A_77] {strides = array<i32>} : memref<64xi32, #tpu.memory_space<vmem>>, vector<16xi32>,
    %swap3A_79 = vector.shape_cast %swap3A_78 : vector<16xi32> to vector<16xi32>
    %swap3A_80 = vector.shape_cast %and3A_76 : vector<16xi32> to vector<16xi32>
    tpu.vector_store %arg6[%swap3A_77], %swap3A_80 {strides = array<i32>} : memref<64xi32, #tpu.memory_space<vmem>>, vector<16xi32>,
    %shift_right_logical3A_81 = arith.constant 16 : i32
    %shift_right_logical3A_82 = vector.broadcast %shift_right_logical3A_81 : i32 to vector<16xi32>
    %shift_right_logical3A_83 = arith.shrui %get3A_73, %shift_right_logical3A_82 : vector<16xi32>
    %swap3A_84 = arith.constant 48 : index
    %swap3A_85 = tpu.vector_load %arg7[%swap3A_84] {strides = array<i32>} : memref<64xi32, #tpu.memory_space<vmem>>, vector<16xi32>,
    %swap3A_86 = vector.shape_cast %swap3A_85 : vector<16xi32> to vector<16xi32>
    %swap3A_87 = vector.shape_cast %shift_right_logical3A_83 : vector<16xi32> to vector<16xi32>
    tpu.vector_store %arg7[%swap3A_84], %swap3A_87 {strides = array<i32>} : memref<64xi32, #tpu.memory_space<vmem>>, vector<16xi32>,
    %dma_start3A = arith.constant 0 : i32
    %dma_start3A_88 = arith.constant 0 : i32
    %dma_start3A_89 = tpu.memref_slice %arg2[%dma_start3A, %dma_start3A_88] : memref<10000x128xf32, #tpu.memory_space<hbm>> -> memref<10000x128xf32, #tpu.memory_space<hbm>>
    tpu.enqueue_indirect_dma source(%dma_start3A_89 : memref<10000x128xf32, #tpu.memory_space<hbm>>) target(%arg12 : memref<64x128xf32, #tpu.memory_space<vmem>>) offsets(%arg6 : memref<64xi32, #tpu.memory_space<vmem>>) semaphore(%arg16 : memref<!tpu.dma_semaphore, #tpu.memory_space<semaphore_mem>>)
    %get3A_90 = arith.constant 1 : i32
    %get3A_91 = arith.index_cast %get3A_90 : i32 to index
    %get3A_92 = arith.constant 0 : index
    %get3A_93 = tpu.vector_load %arg5[%get3A_91, %get3A_92] {strides = array<i32>} : memref<167x64xi32, #tpu.memory_space<vmem>>, vector<1x16xi32>,
    %get3A_94 = vector.shape_cast %get3A_93 : vector<1x16xi32> to vector<16xi32>
    %and3A_95 = arith.constant 65535 : i32
    %and3A_96 = vector.broadcast %and3A_95 : i32 to vector<16xi32>
    %and3A_97 = arith.andi %get3A_94, %and3A_96 : vector<16xi32>
    %swap3A_98 = arith.constant 0 : index
    %swap3A_99 = tpu.vector_load %arg8[%swap3A_98] {strides = array<i32>} : memref<64xi32, #tpu.memory_space<vmem>>, vector<16xi32>,
    %swap3A_100 = vector.shape_cast %swap3A_99 : vector<16xi32> to vector<16xi32>
    %swap3A_101 = vector.shape_cast %and3A_97 : vector<16xi32> to vector<16xi32>
    tpu.vector_store %arg8[%swap3A_98], %swap3A_101 {strides = array<i32>} : memref<64xi32, #tpu.memory_space<vmem>>, vector<16xi32>,
    %shift_right_logical3A_102 = arith.constant 16 : i32
    %shift_right_logical3A_103 = vector.broadcast %shift_right_logical3A_102 : i32 to vector<16xi32>
    %shift_right_logical3A_104 = arith.shrui %get3A_94, %shift_right_logical3A_103 : vector<16xi32>
    %swap3A_105 = arith.constant 0 : index
    %swap3A_106 = tpu.vector_load %arg9[%swap3A_105] {strides = array<i32>} : memref<64xi32, #tpu.memory_space<vmem>>, vector<16xi32>,
    %swap3A_107 = vector.shape_cast %swap3A_106 : vector<16xi32> to vector<16xi32>
    %swap3A_108 = vector.shape_cast %shift_right_logical3A_104 : vector<16xi32> to vector<16xi32>
    tpu.vector_store %arg9[%swap3A_105], %swap3A_108 {strides = array<i32>} : memref<64xi32, #tpu.memory_space<vmem>>, vector<16xi32>,
    %get3A_109 = arith.constant 1 : i32
    %get3A_110 = arith.index_cast %get3A_109 : i32 to index
    %get3A_111 = arith.constant 16 : index
    %get3A_112 = tpu.vector_load %arg5[%get3A_110, %get3A_111] {strides = array<i32>} : memref<167x64xi32, #tpu.memory_space<vmem>>, vector<1x16xi32>,
    %get3A_113 = vector.shape_cast %get3A_112 : vector<1x16xi32> to vector<16xi32>
    %and3A_114 = arith.constant 65535 : i32
    %and3A_115 = vector.broadcast %and3A_114 : i32 to vector<16xi32>
    %and3A_116 = arith.andi %get3A_113, %and3A_115 : vector<16xi32>
    %swap3A_117 = arith.constant 16 : index
    %swap3A_118 = tpu.vector_load %arg8[%swap3A_117] {strides = array<i32>} : memref<64xi32, #tpu.memory_space<vmem>>, vector<16xi32>,
    %swap3A_119 = vector.shape_cast %swap3A_118 : vector<16xi32> to vector<16xi32>
    %swap3A_120 = vector.shape_cast %and3A_116 : vector<16xi32> to vector<16xi32>
    tpu.vector_store %arg8[%swap3A_117], %swap3A_120 {strides = array<i32>} : memref<64xi32, #tpu.memory_space<vmem>>, vector<16xi32>,
    %shift_right_logical3A_121 = arith.constant 16 : i32
    %shift_right_logical3A_122 = vector.broadcast %shift_right_logical3A_121 : i32 to vector<16xi32>
    %shift_right_logical3A_123 = arith.shrui %get3A_113, %shift_right_logical3A_122 : vector<16xi32>
    %swap3A_124 = arith.constant 16 : index
    %swap3A_125 = tpu.vector_load %arg9[%swap3A_124] {strides = array<i32>} : memref<64xi32, #tpu.memory_space<vmem>>, vector<16xi32>,
    %swap3A_126 = vector.shape_cast %swap3A_125 : vector<16xi32> to vector<16xi32>
    %swap3A_127 = vector.shape_cast %shift_right_logical3A_123 : vector<16xi32> to vector<16xi32>
    tpu.vector_store %arg9[%swap3A_124], %swap3A_127 {strides = array<i32>} : memref<64xi32, #tpu.memory_space<vmem>>, vector<16xi32>,
    %get3A_128 = arith.constant 1 : i32
    %get3A_129 = arith.index_cast %get3A_128 : i32 to index
    %get3A_130 = arith.constant 32 : index
    %get3A_131 = tpu.vector_load %arg5[%get3A_129, %get3A_130] {strides = array<i32>} : memref<167x64xi32, #tpu.memory_space<vmem>>, vector<1x16xi32>,
    %get3A_132 = vector.shape_cast %get3A_131 : vector<1x16xi32> to vector<16xi32>
    %and3A_133 = arith.constant 65535 : i32
    %and3A_134 = vector.broadcast %and3A_133 : i32 to vector<16xi32>
    %and3A_135 = arith.andi %get3A_132, %and3A_134 : vector<16xi32>
    %swap3A_136 = arith.constant 32 : index
    %swap3A_137 = tpu.vector_load %arg8[%swap3A_136] {strides = array<i32>} : memref<64xi32, #tpu.memory_space<vmem>>, vector<16xi32>,
    %swap3A_138 = vector.shape_cast %swap3A_137 : vector<16xi32> to vector<16xi32>
    %swap3A_139 = vector.shape_cast %and3A_135 : vector<16xi32> to vector<16xi32>
    tpu.vector_store %arg8[%swap3A_136], %swap3A_139 {strides = array<i32>} : memref<64xi32, #tpu.memory_space<vmem>>, vector<16xi32>,
    %shift_right_logical3A_140 = arith.constant 16 : i32
    %shift_right_logical3A_141 = vector.broadcast %shift_right_logical3A_140 : i32 to vector<16xi32>
    %shift_right_logical3A_142 = arith.shrui %get3A_132, %shift_right_logical3A_141 : vector<16xi32>
    %swap3A_143 = arith.constant 32 : index
    %swap3A_144 = tpu.vector_load %arg9[%swap3A_143] {strides = array<i32>} : memref<64xi32, #tpu.memory_space<vmem>>, vector<16xi32>,
    %swap3A_145 = vector.shape_cast %swap3A_144 : vector<16xi32> to vector<16xi32>
    %swap3A_146 = vector.shape_cast %shift_right_logical3A_142 : vector<16xi32> to vector<16xi32>
    tpu.vector_store %arg9[%swap3A_143], %swap3A_146 {strides = array<i32>} : memref<64xi32, #tpu.memory_space<vmem>>, vector<16xi32>,
    %get3A_147 = arith.constant 1 : i32
    %get3A_148 = arith.index_cast %get3A_147 : i32 to index
    %get3A_149 = arith.constant 48 : index
    %get3A_150 = tpu.vector_load %arg5[%get3A_148, %get3A_149] {strides = array<i32>} : memref<167x64xi32, #tpu.memory_space<vmem>>, vector<1x16xi32>,
    %get3A_151 = vector.shape_cast %get3A_150 : vector<1x16xi32> to vector<16xi32>
    %and3A_152 = arith.constant 65535 : i32
    %and3A_153 = vector.broadcast %and3A_152 : i32 to vector<16xi32>
    %and3A_154 = arith.andi %get3A_151, %and3A_153 : vector<16xi32>
    %swap3A_155 = arith.constant 48 : index
    %swap3A_156 = tpu.vector_load %arg8[%swap3A_155] {strides = array<i32>} : memref<64xi32, #tpu.memory_space<vmem>>, vector<16xi32>,
    %swap3A_157 = vector.shape_cast %swap3A_156 : vector<16xi32> to vector<16xi32>
    %swap3A_158 = vector.shape_cast %and3A_154 : vector<16xi32> to vector<16xi32>
    tpu.vector_store %arg8[%swap3A_155], %swap3A_158 {strides = array<i32>} : memref<64xi32, #tpu.memory_space<vmem>>, vector<16xi32>,
    %shift_right_logical3A_159 = arith.constant 16 : i32
    %shift_right_logical3A_160 = vector.broadcast %shift_right_logical3A_159 : i32 to vector<16xi32>
    %shift_right_logical3A_161 = arith.shrui %get3A_151, %shift_right_logical3A_160 : vector<16xi32>
    %swap3A_162 = arith.constant 48 : index
    %swap3A_163 = tpu.vector_load %arg9[%swap3A_162] {strides = array<i32>} : memref<64xi32, #tpu.memory_space<vmem>>, vector<16xi32>,
    %swap3A_164 = vector.shape_cast %swap3A_163 : vector<16xi32> to vector<16xi32>
    %swap3A_165 = vector.shape_cast %shift_right_logical3A_161 : vector<16xi32> to vector<16xi32>
    tpu.vector_store %arg9[%swap3A_162], %swap3A_165 {strides = array<i32>} : memref<64xi32, #tpu.memory_space<vmem>>, vector<16xi32>,
    %dma_start3A_166 = arith.constant 0 : i32
    %dma_start3A_167 = arith.constant 0 : i32
    %dma_start3A_168 = tpu.memref_slice %arg2[%dma_start3A_166, %dma_start3A_167] : memref<10000x128xf32, #tpu.memory_space<hbm>> -> memref<10000x128xf32, #tpu.memory_space<hbm>>
    tpu.enqueue_indirect_dma source(%dma_start3A_168 : memref<10000x128xf32, #tpu.memory_space<hbm>>) target(%arg13 : memref<64x128xf32, #tpu.memory_space<vmem>>) offsets(%arg8 : memref<64xi32, #tpu.memory_space<vmem>>) semaphore(%arg17 : memref<!tpu.dma_semaphore, #tpu.memory_space<semaphore_mem>>)
    %get3A_169 = arith.constant 2 : i32
    %get3A_170 = arith.index_cast %get3A_169 : i32 to index
    %get3A_171 = arith.constant 0 : index
    %get3A_172 = tpu.vector_load %arg5[%get3A_170, %get3A_171] {strides = array<i32>} : memref<167x64xi32, #tpu.memory_space<vmem>>, vector<1x16xi32>,
    %get3A_173 = vector.shape_cast %get3A_172 : vector<1x16xi32> to vector<16xi32>
    %and3A_174 = arith.constant 65535 : i32
    %and3A_175 = vector.broadcast %and3A_174 : i32 to vector<16xi32>
    %and3A_176 = arith.andi %get3A_173, %and3A_175 : vector<16xi32>
    %swap3A_177 = arith.constant 0 : index
    %swap3A_178 = tpu.vector_load %arg10[%swap3A_177] {strides = array<i32>} : memref<64xi32, #tpu.memory_space<vmem>>, vector<16xi32>,
    %swap3A_179 = vector.shape_cast %swap3A_178 : vector<16xi32> to vector<16xi32>
    %swap3A_180 = vector.shape_cast %and3A_176 : vector<16xi32> to vector<16xi32>
    tpu.vector_store %arg10[%swap3A_177], %swap3A_180 {strides = array<i32>} : memref<64xi32, #tpu.memory_space<vmem>>, vector<16xi32>,
    %shift_right_logical3A_181 = arith.constant 16 : i32
    %shift_right_logical3A_182 = vector.broadcast %shift_right_logical3A_181 : i32 to vector<16xi32>
    %shift_right_logical3A_183 = arith.shrui %get3A_173, %shift_right_logical3A_182 : vector<16xi32>
    %swap3A_184 = arith.constant 0 : index
    %swap3A_185 = tpu.vector_load %arg11[%swap3A_184] {strides = array<i32>} : memref<64xi32, #tpu.memory_space<vmem>>, vector<16xi32>,
    %swap3A_186 = vector.shape_cast %swap3A_185 : vector<16xi32> to vector<16xi32>
    %swap3A_187 = vector.shape_cast %shift_right_logical3A_183 : vector<16xi32> to vector<16xi32>
    tpu.vector_store %arg11[%swap3A_184], %swap3A_187 {strides = array<i32>} : memref<64xi32, #tpu.memory_space<vmem>>, vector<16xi32>,
    %get3A_188 = arith.constant 2 : i32
    %get3A_189 = arith.index_cast %get3A_188 : i32 to index
    %get3A_190 = arith.constant 16 : index
    %get3A_191 = tpu.vector_load %arg5[%get3A_189, %get3A_190] {strides = array<i32>} : memref<167x64xi32, #tpu.memory_space<vmem>>, vector<1x16xi32>,
    %get3A_192 = vector.shape_cast %get3A_191 : vector<1x16xi32> to vector<16xi32>
    %and3A_193 = arith.constant 65535 : i32
    %and3A_194 = vector.broadcast %and3A_193 : i32 to vector<16xi32>
    %and3A_195 = arith.andi %get3A_192, %and3A_194 : vector<16xi32>
    %swap3A_196 = arith.constant 16 : index
    %swap3A_197 = tpu.vector_load %arg10[%swap3A_196] {strides = array<i32>} : memref<64xi32, #tpu.memory_space<vmem>>, vector<16xi32>,
    %swap3A_198 = vector.shape_cast %swap3A_197 : vector<16xi32> to vector<16xi32>
    %swap3A_199 = vector.shape_cast %and3A_195 : vector<16xi32> to vector<16xi32>
    tpu.vector_store %arg10[%swap3A_196], %swap3A_199 {strides = array<i32>} : memref<64xi32, #tpu.memory_space<vmem>>, vector<16xi32>,
    %shift_right_logical3A_200 = arith.constant 16 : i32
    %shift_right_logical3A_201 = vector.broadcast %shift_right_logical3A_200 : i32 to vector<16xi32>
    %shift_right_logical3A_202 = arith.shrui %get3A_192, %shift_right_logical3A_201 : vector<16xi32>
    %swap3A_203 = arith.constant 16 : index
    %swap3A_204 = tpu.vector_load %arg11[%swap3A_203] {strides = array<i32>} : memref<64xi32, #tpu.memory_space<vmem>>, vector<16xi32>,
    %swap3A_205 = vector.shape_cast %swap3A_204 : vector<16xi32> to vector<16xi32>
    %swap3A_206 = vector.shape_cast %shift_right_logical3A_202 : vector<16xi32> to vector<16xi32>
    tpu.vector_store %arg11[%swap3A_203], %swap3A_206 {strides = array<i32>} : memref<64xi32, #tpu.memory_space<vmem>>, vector<16xi32>,
    %get3A_207 = arith.constant 2 : i32
    %get3A_208 = arith.index_cast %get3A_207 : i32 to index
    %get3A_209 = arith.constant 32 : index
    %get3A_210 = tpu.vector_load %arg5[%get3A_208, %get3A_209] {strides = array<i32>} : memref<167x64xi32, #tpu.memory_space<vmem>>, vector<1x16xi32>,
    %get3A_211 = vector.shape_cast %get3A_210 : vector<1x16xi32> to vector<16xi32>
    %and3A_212 = arith.constant 65535 : i32
    %and3A_213 = vector.broadcast %and3A_212 : i32 to vector<16xi32>
    %and3A_214 = arith.andi %get3A_211, %and3A_213 : vector<16xi32>
    %swap3A_215 = arith.constant 32 : index
    %swap3A_216 = tpu.vector_load %arg10[%swap3A_215] {strides = array<i32>} : memref<64xi32, #tpu.memory_space<vmem>>, vector<16xi32>,
    %swap3A_217 = vector.shape_cast %swap3A_216 : vector<16xi32> to vector<16xi32>
    %swap3A_218 = vector.shape_cast %and3A_214 : vector<16xi32> to vector<16xi32>
    tpu.vector_store %arg10[%swap3A_215], %swap3A_218 {strides = array<i32>} : memref<64xi32, #tpu.memory_space<vmem>>, vector<16xi32>,
    %shift_right_logical3A_219 = arith.constant 16 : i32
    %shift_right_logical3A_220 = vector.broadcast %shift_right_logical3A_219 : i32 to vector<16xi32>
    %shift_right_logical3A_221 = arith.shrui %get3A_211, %shift_right_logical3A_220 : vector<16xi32>
    %swap3A_222 = arith.constant 32 : index
    %swap3A_223 = tpu.vector_load %arg11[%swap3A_222] {strides = array<i32>} : memref<64xi32, #tpu.memory_space<vmem>>, vector<16xi32>,
    %swap3A_224 = vector.shape_cast %swap3A_223 : vector<16xi32> to vector<16xi32>
    %swap3A_225 = vector.shape_cast %shift_right_logical3A_221 : vector<16xi32> to vector<16xi32>
    tpu.vector_store %arg11[%swap3A_222], %swap3A_225 {strides = array<i32>} : memref<64xi32, #tpu.memory_space<vmem>>, vector<16xi32>,
    %get3A_226 = arith.constant 2 : i32
    %get3A_227 = arith.index_cast %get3A_226 : i32 to index
    %get3A_228 = arith.constant 48 : index
    %get3A_229 = tpu.vector_load %arg5[%get3A_227, %get3A_228] {strides = array<i32>} : memref<167x64xi32, #tpu.memory_space<vmem>>, vector<1x16xi32>,
    %get3A_230 = vector.shape_cast %get3A_229 : vector<1x16xi32> to vector<16xi32>
    %and3A_231 = arith.constant 65535 : i32
    %and3A_232 = vector.broadcast %and3A_231 : i32 to vector<16xi32>
    %and3A_233 = arith.andi %get3A_230, %and3A_232 : vector<16xi32>
    %swap3A_234 = arith.constant 48 : index
    %swap3A_235 = tpu.vector_load %arg10[%swap3A_234] {strides = array<i32>} : memref<64xi32, #tpu.memory_space<vmem>>, vector<16xi32>,
    %swap3A_236 = vector.shape_cast %swap3A_235 : vector<16xi32> to vector<16xi32>
    %swap3A_237 = vector.shape_cast %and3A_233 : vector<16xi32> to vector<16xi32>
    tpu.vector_store %arg10[%swap3A_234], %swap3A_237 {strides = array<i32>} : memref<64xi32, #tpu.memory_space<vmem>>, vector<16xi32>,
    %shift_right_logical3A_238 = arith.constant 16 : i32
    %shift_right_logical3A_239 = vector.broadcast %shift_right_logical3A_238 : i32 to vector<16xi32>
    %shift_right_logical3A_240 = arith.shrui %get3A_230, %shift_right_logical3A_239 : vector<16xi32>
    %swap3A_241 = arith.constant 48 : index
    %swap3A_242 = tpu.vector_load %arg11[%swap3A_241] {strides = array<i32>} : memref<64xi32, #tpu.memory_space<vmem>>, vector<16xi32>,
    %swap3A_243 = vector.shape_cast %swap3A_242 : vector<16xi32> to vector<16xi32>
    %swap3A_244 = vector.shape_cast %shift_right_logical3A_240 : vector<16xi32> to vector<16xi32>
    tpu.vector_store %arg11[%swap3A_241], %swap3A_244 {strides = array<i32>} : memref<64xi32, #tpu.memory_space<vmem>>, vector<16xi32>,
    %dma_start3A_245 = arith.constant 0 : i32
    %dma_start3A_246 = arith.constant 0 : i32
    %dma_start3A_247 = tpu.memref_slice %arg2[%dma_start3A_245, %dma_start3A_246] : memref<10000x128xf32, #tpu.memory_space<hbm>> -> memref<10000x128xf32, #tpu.memory_space<hbm>>
    tpu.enqueue_indirect_dma source(%dma_start3A_247 : memref<10000x128xf32, #tpu.memory_space<hbm>>) target(%arg14 : memref<64x128xf32, #tpu.memory_space<vmem>>) offsets(%arg10 : memref<64xi32, #tpu.memory_space<vmem>>) semaphore(%arg18 : memref<!tpu.dma_semaphore, #tpu.memory_space<semaphore_mem>>)
    %scan3A_248 = arith.constant 0 : i32
    %scan3A_249 = arith.constant 53 : i32
    %scan3A_250 = arith.addi %scan3A_248, %scan3A_249 : i32
    %scan3A_251 = arith.constant 1 : i32
    scf.for %scan3A_271 = %scan3A_248 to %scan3A_250 step %scan3A_251  : i32 {
      %mul3A_272 = arith.constant 3 : i32
      %mul3A_273 = arith.muli %scan3A_271, %mul3A_272 : i32
      %add3A_274 = arith.constant 0 : i32
      %add3A_275 = arith.addi %add3A_274, %mul3A_273 : i32
      %dma_wait3A_276 = arith.constant 0 : i32
      %dma_wait3A_277 = arith.constant 0 : i32
      %dma_wait3A_278 = tpu.memref_slice %arg2[%dma_wait3A_276, %dma_wait3A_277] : memref<10000x128xf32, #tpu.memory_space<hbm>> -> memref<10000x128xf32, #tpu.memory_space<hbm>>
      tpu.wait_indirect_dma semaphore(%arg16 : memref<!tpu.dma_semaphore, #tpu.memory_space<semaphore_mem>>) src(%dma_wait3A_278 : memref<10000x128xf32, #tpu.memory_space<hbm>>) dst(%arg12 : memref<64x128xf32, #tpu.memory_space<vmem>>)
      "tpu.region"() ({
        %run_scoped3A = tpu.sem_alloc : memref<!tpu.dma_semaphore, #tpu.memory_space<semaphore_mem>>
        %dma_start3A_522 = arith.constant 0 : i32
        %dma_start3A_523 = arith.constant 0 : i32
        %dma_start3A_524 = tpu.memref_slice %arg15[%dma_start3A_522, %dma_start3A_523] : memref<10112x128xf32, #tpu.memory_space<vmem_shared>> -> memref<10112x128xf32, #tpu.memory_space<vmem_shared>>
        tpu.enqueue_indirect_dma source(%arg12 : memref<64x128xf32, #tpu.memory_space<vmem>>) target(%dma_start3A_524 : memref<10112x128xf32, #tpu.memory_space<vmem_shared>>) offsets(%arg7 : memref<64xi32, #tpu.memory_space<vmem>>) semaphore(%run_scoped3A : memref<!tpu.dma_semaphore, #tpu.memory_space<semaphore_mem>>) {add = true}
        %dma_wait3A_525 = arith.constant 0 : i32
        %dma_wait3A_526 = arith.constant 0 : i32
        %dma_wait3A_527 = tpu.memref_slice %arg15[%dma_wait3A_525, %dma_wait3A_526] : memref<10112x128xf32, #tpu.memory_space<vmem_shared>> -> memref<10112x128xf32, #tpu.memory_space<vmem_shared>>
        tpu.wait_indirect_dma semaphore(%run_scoped3A : memref<!tpu.dma_semaphore, #tpu.memory_space<semaphore_mem>>) src(%arg12 : memref<64x128xf32, #tpu.memory_space<vmem>>) dst(%dma_wait3A_527 : memref<10112x128xf32, #tpu.memory_space<vmem_shared>>)
        tpu.yield
      }) : () -> ()
      %add3A_279 = arith.constant 0 : i32
      %add3A_280 = arith.addi %add3A_275, %add3A_279 : i32
      %add3A_281 = arith.constant 3 : i32
      %add3A_282 = arith.addi %add3A_280, %add3A_281 : i32
      %get3A_283 = arith.index_cast %add3A_282 : i32 to index
      %get3A_284 = arith.constant 0 : index
      %get3A_285 = tpu.vector_load %arg5[%get3A_283, %get3A_284] {strides = array<i32>} : memref<167x64xi32, #tpu.memory_space<vmem>>, vector<1x16xi32>,
      %get3A_286 = vector.shape_cast %get3A_285 : vector<1x16xi32> to vector<16xi32>
      %and3A_287 = arith.constant 65535 : i32
      %and3A_288 = vector.broadcast %and3A_287 : i32 to vector<16xi32>
      %and3A_289 = arith.andi %get3A_286, %and3A_288 : vector<16xi32>
      %swap3A_290 = arith.constant 0 : index
      %swap3A_291 = tpu.vector_load %arg6[%swap3A_290] {strides = array<i32>} : memref<64xi32, #tpu.memory_space<vmem>>, vector<16xi32>,
      %swap3A_292 = vector.shape_cast %swap3A_291 : vector<16xi32> to vector<16xi32>
      %swap3A_293 = vector.shape_cast %and3A_289 : vector<16xi32> to vector<16xi32>
      tpu.vector_store %arg6[%swap3A_290], %swap3A_293 {strides = array<i32>} : memref<64xi32, #tpu.memory_space<vmem>>, vector<16xi32>,
      %shift_right_logical3A_294 = arith.constant 16 : i32
      %shift_right_logical3A_295 = vector.broadcast %shift_right_logical3A_294 : i32 to vector<16xi32>
      %shift_right_logical3A_296 = arith.shrui %get3A_286, %shift_right_logical3A_295 : vector<16xi32>
      %swap3A_297 = arith.constant 0 : index
      %swap3A_298 = tpu.vector_load %arg7[%swap3A_297] {strides = array<i32>} : memref<64xi32, #tpu.memory_space<vmem>>, vector<16xi32>,
      %swap3A_299 = vector.shape_cast %swap3A_298 : vector<16xi32> to vector<16xi32>
      %swap3A_300 = vector.shape_cast %shift_right_logical3A_296 : vector<16xi32> to vector<16xi32>
      tpu.vector_store %arg7[%swap3A_297], %swap3A_300 {strides = array<i32>} : memref<64xi32, #tpu.memory_space<vmem>>, vector<16xi32>,
      %get3A_301 = arith.index_cast %add3A_282 : i32 to index
      %get3A_302 = arith.constant 16 : index
      %get3A_303 = tpu.vector_load %arg5[%get3A_301, %get3A_302] {strides = array<i32>} : memref<167x64xi32, #tpu.memory_space<vmem>>, vector<1x16xi32>,
      %get3A_304 = vector.shape_cast %get3A_303 : vector<1x16xi32> to vector<16xi32>
      %and3A_305 = arith.constant 65535 : i32
      %and3A_306 = vector.broadcast %and3A_305 : i32 to vector<16xi32>
      %and3A_307 = arith.andi %get3A_304, %and3A_306 : vector<16xi32>
      %swap3A_308 = arith.constant 16 : index
      %swap3A_309 = tpu.vector_load %arg6[%swap3A_308] {strides = array<i32>} : memref<64xi32, #tpu.memory_space<vmem>>, vector<16xi32>,
      %swap3A_310 = vector.shape_cast %swap3A_309 : vector<16xi32> to vector<16xi32>
      %swap3A_311 = vector.shape_cast %and3A_307 : vector<16xi32> to vector<16xi32>
      tpu.vector_store %arg6[%swap3A_308], %swap3A_311 {strides = array<i32>} : memref<64xi32, #tpu.memory_space<vmem>>, vector<16xi32>,
      %shift_right_logical3A_312 = arith.constant 16 : i32
      %shift_right_logical3A_313 = vector.broadcast %shift_right_logical3A_312 : i32 to vector<16xi32>
      %shift_right_logical3A_314 = arith.shrui %get3A_304, %shift_right_logical3A_313 : vector<16xi32>
      %swap3A_315 = arith.constant 16 : index
      %swap3A_316 = tpu.vector_load %arg7[%swap3A_315] {strides = array<i32>} : memref<64xi32, #tpu.memory_space<vmem>>, vector<16xi32>,
      %swap3A_317 = vector.shape_cast %swap3A_316 : vector<16xi32> to vector<16xi32>
      %swap3A_318 = vector.shape_cast %shift_right_logical3A_314 : vector<16xi32> to vector<16xi32>
      tpu.vector_store %arg7[%swap3A_315], %swap3A_318 {strides = array<i32>} : memref<64xi32, #tpu.memory_space<vmem>>, vector<16xi32>,
      %get3A_319 = arith.index_cast %add3A_282 : i32 to index
      %get3A_320 = arith.constant 32 : index
      %get3A_321 = tpu.vector_load %arg5[%get3A_319, %get3A_320] {strides = array<i32>} : memref<167x64xi32, #tpu.memory_space<vmem>>, vector<1x16xi32>,
      %get3A_322 = vector.shape_cast %get3A_321 : vector<1x16xi32> to vector<16xi32>
      %and3A_323 = arith.constant 65535 : i32
      %and3A_324 = vector.broadcast %and3A_323 : i32 to vector<16xi32>
      %and3A_325 = arith.andi %get3A_322, %and3A_324 : vector<16xi32>
      %swap3A_326 = arith.constant 32 : index
      %swap3A_327 = tpu.vector_load %arg6[%swap3A_326] {strides = array<i32>} : memref<64xi32, #tpu.memory_space<vmem>>, vector<16xi32>,
      %swap3A_328 = vector.shape_cast %swap3A_327 : vector<16xi32> to vector<16xi32>
      %swap3A_329 = vector.shape_cast %and3A_325 : vector<16xi32> to vector<16xi32>
      tpu.vector_store %arg6[%swap3A_326], %swap3A_329 {strides = array<i32>} : memref<64xi32, #tpu.memory_space<vmem>>, vector<16xi32>,
      %shift_right_logical3A_330 = arith.constant 16 : i32
      %shift_right_logical3A_331 = vector.broadcast %shift_right_logical3A_330 : i32 to vector<16xi32>
      %shift_right_logical3A_332 = arith.shrui %get3A_322, %shift_right_logical3A_331 : vector<16xi32>
      %swap3A_333 = arith.constant 32 : index
      %swap3A_334 = tpu.vector_load %arg7[%swap3A_333] {strides = array<i32>} : memref<64xi32, #tpu.memory_space<vmem>>, vector<16xi32>,
      %swap3A_335 = vector.shape_cast %swap3A_334 : vector<16xi32> to vector<16xi32>
      %swap3A_336 = vector.shape_cast %shift_right_logical3A_332 : vector<16xi32> to vector<16xi32>
      tpu.vector_store %arg7[%swap3A_333], %swap3A_336 {strides = array<i32>} : memref<64xi32, #tpu.memory_space<vmem>>, vector<16xi32>,
      %get3A_337 = arith.index_cast %add3A_282 : i32 to index
      %get3A_338 = arith.constant 48 : index
      %get3A_339 = tpu.vector_load %arg5[%get3A_337, %get3A_338] {strides = array<i32>} : memref<167x64xi32, #tpu.memory_space<vmem>>, vector<1x16xi32>,
      %get3A_340 = vector.shape_cast %get3A_339 : vector<1x16xi32> to vector<16xi32>
      %and3A_341 = arith.constant 65535 : i32
      %and3A_342 = vector.broadcast %and3A_341 : i32 to vector<16xi32>
      %and3A_343 = arith.andi %get3A_340, %and3A_342 : vector<16xi32>
      %swap3A_344 = arith.constant 48 : index
      %swap3A_345 = tpu.vector_load %arg6[%swap3A_344] {strides = array<i32>} : memref<64xi32, #tpu.memory_space<vmem>>, vector<16xi32>,
      %swap3A_346 = vector.shape_cast %swap3A_345 : vector<16xi32> to vector<16xi32>
      %swap3A_347 = vector.shape_cast %and3A_343 : vector<16xi32> to vector<16xi32>
      tpu.vector_store %arg6[%swap3A_344], %swap3A_347 {strides = array<i32>} : memref<64xi32, #tpu.memory_space<vmem>>, vector<16xi32>,
      %shift_right_logical3A_348 = arith.constant 16 : i32
      %shift_right_logical3A_349 = vector.broadcast %shift_right_logical3A_348 : i32 to vector<16xi32>
      %shift_right_logical3A_350 = arith.shrui %get3A_340, %shift_right_logical3A_349 : vector<16xi32>
      %swap3A_351 = arith.constant 48 : index
      %swap3A_352 = tpu.vector_load %arg7[%swap3A_351] {strides = array<i32>} : memref<64xi32, #tpu.memory_space<vmem>>, vector<16xi32>,
      %swap3A_353 = vector.shape_cast %swap3A_352 : vector<16xi32> to vector<16xi32>
      %swap3A_354 = vector.shape_cast %shift_right_logical3A_350 : vector<16xi32> to vector<16xi32>
      tpu.vector_store %arg7[%swap3A_351], %swap3A_354 {strides = array<i32>} : memref<64xi32, #tpu.memory_space<vmem>>, vector<16xi32>,
      %dma_start3A_355 = arith.constant 0 : i32
      %dma_start3A_356 = arith.constant 0 : i32
      %dma_start3A_357 = tpu.memref_slice %arg2[%dma_start3A_355, %dma_start3A_356] : memref<10000x128xf32, #tpu.memory_space<hbm>> -> memref<10000x128xf32, #tpu.memory_space<hbm>>
      tpu.enqueue_indirect_dma source(%dma_start3A_357 : memref<10000x128xf32, #tpu.memory_space<hbm>>) target(%arg12 : memref<64x128xf32, #tpu.memory_space<vmem>>) offsets(%arg6 : memref<64xi32, #tpu.memory_space<vmem>>) semaphore(%arg16 : memref<!tpu.dma_semaphore, #tpu.memory_space<semaphore_mem>>)
      %dma_wait3A_358 = arith.constant 0 : i32
      %dma_wait3A_359 = arith.constant 0 : i32
      %dma_wait3A_360 = tpu.memref_slice %arg2[%dma_wait3A_358, %dma_wait3A_359] : memref<10000x128xf32, #tpu.memory_space<hbm>> -> memref<10000x128xf32, #tpu.memory_space<hbm>>
      tpu.wait_indirect_dma semaphore(%arg17 : memref<!tpu.dma_semaphore, #tpu.memory_space<semaphore_mem>>) src(%dma_wait3A_360 : memref<10000x128xf32, #tpu.memory_space<hbm>>) dst(%arg13 : memref<64x128xf32, #tpu.memory_space<vmem>>)
      "tpu.region"() ({
        %run_scoped3A = tpu.sem_alloc : memref<!tpu.dma_semaphore, #tpu.memory_space<semaphore_mem>>
        %dma_start3A_522 = arith.constant 0 : i32
        %dma_start3A_523 = arith.constant 0 : i32
        %dma_start3A_524 = tpu.memref_slice %arg15[%dma_start3A_522, %dma_start3A_523] : memref<10112x128xf32, #tpu.memory_space<vmem_shared>> -> memref<10112x128xf32, #tpu.memory_space<vmem_shared>>
        tpu.enqueue_indirect_dma source(%arg13 : memref<64x128xf32, #tpu.memory_space<vmem>>) target(%dma_start3A_524 : memref<10112x128xf32, #tpu.memory_space<vmem_shared>>) offsets(%arg9 : memref<64xi32, #tpu.memory_space<vmem>>) semaphore(%run_scoped3A : memref<!tpu.dma_semaphore, #tpu.memory_space<semaphore_mem>>) {add = true}
        %dma_wait3A_525 = arith.constant 0 : i32
        %dma_wait3A_526 = arith.constant 0 : i32
        %dma_wait3A_527 = tpu.memref_slice %arg15[%dma_wait3A_525, %dma_wait3A_526] : memref<10112x128xf32, #tpu.memory_space<vmem_shared>> -> memref<10112x128xf32, #tpu.memory_space<vmem_shared>>
        tpu.wait_indirect_dma semaphore(%run_scoped3A : memref<!tpu.dma_semaphore, #tpu.memory_space<semaphore_mem>>) src(%arg13 : memref<64x128xf32, #tpu.memory_space<vmem>>) dst(%dma_wait3A_527 : memref<10112x128xf32, #tpu.memory_space<vmem_shared>>)
        tpu.yield
      }) : () -> ()
      %add3A_361 = arith.constant 1 : i32
      %add3A_362 = arith.addi %add3A_275, %add3A_361 : i32
      %add3A_363 = arith.constant 3 : i32
      %add3A_364 = arith.addi %add3A_362, %add3A_363 : i32
      %get3A_365 = arith.index_cast %add3A_364 : i32 to index
      %get3A_366 = arith.constant 0 : index
      %get3A_367 = tpu.vector_load %arg5[%get3A_365, %get3A_366] {strides = array<i32>} : memref<167x64xi32, #tpu.memory_space<vmem>>, vector<1x16xi32>,
      %get3A_368 = vector.shape_cast %get3A_367 : vector<1x16xi32> to vector<16xi32>
      %and3A_369 = arith.constant 65535 : i32
      %and3A_370 = vector.broadcast %and3A_369 : i32 to vector<16xi32>
      %and3A_371 = arith.andi %get3A_368, %and3A_370 : vector<16xi32>
      %swap3A_372 = arith.constant 0 : index
      %swap3A_373 = tpu.vector_load %arg8[%swap3A_372] {strides = array<i32>} : memref<64xi32, #tpu.memory_space<vmem>>, vector<16xi32>,
      %swap3A_374 = vector.shape_cast %swap3A_373 : vector<16xi32> to vector<16xi32>
      %swap3A_375 = vector.shape_cast %and3A_371 : vector<16xi32> to vector<16xi32>
      tpu.vector_store %arg8[%swap3A_372], %swap3A_375 {strides = array<i32>} : memref<64xi32, #tpu.memory_space<vmem>>, vector<16xi32>,
      %shift_right_logical3A_376 = arith.constant 16 : i32
      %shift_right_logical3A_377 = vector.broadcast %shift_right_logical3A_376 : i32 to vector<16xi32>
      %shift_right_logical3A_378 = arith.shrui %get3A_368, %shift_right_logical3A_377 : vector<16xi32>
      %swap3A_379 = arith.constant 0 : index
      %swap3A_380 = tpu.vector_load %arg9[%swap3A_379] {strides = array<i32>} : memref<64xi32, #tpu.memory_space<vmem>>, vector<16xi32>,
      %swap3A_381 = vector.shape_cast %swap3A_380 : vector<16xi32> to vector<16xi32>
      %swap3A_382 = vector.shape_cast %shift_right_logical3A_378 : vector<16xi32> to vector<16xi32>
      tpu.vector_store %arg9[%swap3A_379], %swap3A_382 {strides = array<i32>} : memref<64xi32, #tpu.memory_space<vmem>>, vector<16xi32>,
      %get3A_383 = arith.index_cast %add3A_364 : i32 to index
      %get3A_384 = arith.constant 16 : index
      %get3A_385 = tpu.vector_load %arg5[%get3A_383, %get3A_384] {strides = array<i32>} : memref<167x64xi32, #tpu.memory_space<vmem>>, vector<1x16xi32>,
      %get3A_386 = vector.shape_cast %get3A_385 : vector<1x16xi32> to vector<16xi32>
      %and3A_387 = arith.constant 65535 : i32
      %and3A_388 = vector.broadcast %and3A_387 : i32 to vector<16xi32>
      %and3A_389 = arith.andi %get3A_386, %and3A_388 : vector<16xi32>
      %swap3A_390 = arith.constant 16 : index
      %swap3A_391 = tpu.vector_load %arg8[%swap3A_390] {strides = array<i32>} : memref<64xi32, #tpu.memory_space<vmem>>, vector<16xi32>,
      %swap3A_392 = vector.shape_cast %swap3A_391 : vector<16xi32> to vector<16xi32>
      %swap3A_393 = vector.shape_cast %and3A_389 : vector<16xi32> to vector<16xi32>
      tpu.vector_store %arg8[%swap3A_390], %swap3A_393 {strides = array<i32>} : memref<64xi32, #tpu.memory_space<vmem>>, vector<16xi32>,
      %shift_right_logical3A_394 = arith.constant 16 : i32
      %shift_right_logical3A_395 = vector.broadcast %shift_right_logical3A_394 : i32 to vector<16xi32>
      %shift_right_logical3A_396 = arith.shrui %get3A_386, %shift_right_logical3A_395 : vector<16xi32>
      %swap3A_397 = arith.constant 16 : index
      %swap3A_398 = tpu.vector_load %arg9[%swap3A_397] {strides = array<i32>} : memref<64xi32, #tpu.memory_space<vmem>>, vector<16xi32>,
      %swap3A_399 = vector.shape_cast %swap3A_398 : vector<16xi32> to vector<16xi32>
      %swap3A_400 = vector.shape_cast %shift_right_logical3A_396 : vector<16xi32> to vector<16xi32>
      tpu.vector_store %arg9[%swap3A_397], %swap3A_400 {strides = array<i32>} : memref<64xi32, #tpu.memory_space<vmem>>, vector<16xi32>,
      %get3A_401 = arith.index_cast %add3A_364 : i32 to index
      %get3A_402 = arith.constant 32 : index
      %get3A_403 = tpu.vector_load %arg5[%get3A_401, %get3A_402] {strides = array<i32>} : memref<167x64xi32, #tpu.memory_space<vmem>>, vector<1x16xi32>,
      %get3A_404 = vector.shape_cast %get3A_403 : vector<1x16xi32> to vector<16xi32>
      %and3A_405 = arith.constant 65535 : i32
      %and3A_406 = vector.broadcast %and3A_405 : i32 to vector<16xi32>
      %and3A_407 = arith.andi %get3A_404, %and3A_406 : vector<16xi32>
      %swap3A_408 = arith.constant 32 : index
      %swap3A_409 = tpu.vector_load %arg8[%swap3A_408] {strides = array<i32>} : memref<64xi32, #tpu.memory_space<vmem>>, vector<16xi32>,
      %swap3A_410 = vector.shape_cast %swap3A_409 : vector<16xi32> to vector<16xi32>
      %swap3A_411 = vector.shape_cast %and3A_407 : vector<16xi32> to vector<16xi32>
      tpu.vector_store %arg8[%swap3A_408], %swap3A_411 {strides = array<i32>} : memref<64xi32, #tpu.memory_space<vmem>>, vector<16xi32>,
      %shift_right_logical3A_412 = arith.constant 16 : i32
      %shift_right_logical3A_413 = vector.broadcast %shift_right_logical3A_412 : i32 to vector<16xi32>
      %shift_right_logical3A_414 = arith.shrui %get3A_404, %shift_right_logical3A_413 : vector<16xi32>
      %swap3A_415 = arith.constant 32 : index
      %swap3A_416 = tpu.vector_load %arg9[%swap3A_415] {strides = array<i32>} : memref<64xi32, #tpu.memory_space<vmem>>, vector<16xi32>,
      %swap3A_417 = vector.shape_cast %swap3A_416 : vector<16xi32> to vector<16xi32>
      %swap3A_418 = vector.shape_cast %shift_right_logical3A_414 : vector<16xi32> to vector<16xi32>
      tpu.vector_store %arg9[%swap3A_415], %swap3A_418 {strides = array<i32>} : memref<64xi32, #tpu.memory_space<vmem>>, vector<16xi32>,
      %get3A_419 = arith.index_cast %add3A_364 : i32 to index
      %get3A_420 = arith.constant 48 : index
      %get3A_421 = tpu.vector_load %arg5[%get3A_419, %get3A_420] {strides = array<i32>} : memref<167x64xi32, #tpu.memory_space<vmem>>, vector<1x16xi32>,
      %get3A_422 = vector.shape_cast %get3A_421 : vector<1x16xi32> to vector<16xi32>
      %and3A_423 = arith.constant 65535 : i32
      %and3A_424 = vector.broadcast %and3A_423 : i32 to vector<16xi32>
      %and3A_425 = arith.andi %get3A_422, %and3A_424 : vector<16xi32>
      %swap3A_426 = arith.constant 48 : index
      %swap3A_427 = tpu.vector_load %arg8[%swap3A_426] {strides = array<i32>} : memref<64xi32, #tpu.memory_space<vmem>>, vector<16xi32>,
      %swap3A_428 = vector.shape_cast %swap3A_427 : vector<16xi32> to vector<16xi32>
      %swap3A_429 = vector.shape_cast %and3A_425 : vector<16xi32> to vector<16xi32>
      tpu.vector_store %arg8[%swap3A_426], %swap3A_429 {strides = array<i32>} : memref<64xi32, #tpu.memory_space<vmem>>, vector<16xi32>,
      %shift_right_logical3A_430 = arith.constant 16 : i32
      %shift_right_logical3A_431 = vector.broadcast %shift_right_logical3A_430 : i32 to vector<16xi32>
      %shift_right_logical3A_432 = arith.shrui %get3A_422, %shift_right_logical3A_431 : vector<16xi32>
      %swap3A_433 = arith.constant 48 : index
      %swap3A_434 = tpu.vector_load %arg9[%swap3A_433] {strides = array<i32>} : memref<64xi32, #tpu.memory_space<vmem>>, vector<16xi32>,
      %swap3A_435 = vector.shape_cast %swap3A_434 : vector<16xi32> to vector<16xi32>
      %swap3A_436 = vector.shape_cast %shift_right_logical3A_432 : vector<16xi32> to vector<16xi32>
      tpu.vector_store %arg9[%swap3A_433], %swap3A_436 {strides = array<i32>} : memref<64xi32, #tpu.memory_space<vmem>>, vector<16xi32>,
      %dma_start3A_437 = arith.constant 0 : i32
      %dma_start3A_438 = arith.constant 0 : i32
      %dma_start3A_439 = tpu.memref_slice %arg2[%dma_start3A_437, %dma_start3A_438] : memref<10000x128xf32, #tpu.memory_space<hbm>> -> memref<10000x128xf32, #tpu.memory_space<hbm>>
      tpu.enqueue_indirect_dma source(%dma_start3A_439 : memref<10000x128xf32, #tpu.memory_space<hbm>>) target(%arg13 : memref<64x128xf32, #tpu.memory_space<vmem>>) offsets(%arg8 : memref<64xi32, #tpu.memory_space<vmem>>) semaphore(%arg17 : memref<!tpu.dma_semaphore, #tpu.memory_space<semaphore_mem>>)
      %dma_wait3A_440 = arith.constant 0 : i32
      %dma_wait3A_441 = arith.constant 0 : i32
      %dma_wait3A_442 = tpu.memref_slice %arg2[%dma_wait3A_440, %dma_wait3A_441] : memref<10000x128xf32, #tpu.memory_space<hbm>> -> memref<10000x128xf32, #tpu.memory_space<hbm>>
      tpu.wait_indirect_dma semaphore(%arg18 : memref<!tpu.dma_semaphore, #tpu.memory_space<semaphore_mem>>) src(%dma_wait3A_442 : memref<10000x128xf32, #tpu.memory_space<hbm>>) dst(%arg14 : memref<64x128xf32, #tpu.memory_space<vmem>>)
      "tpu.region"() ({
        %run_scoped3A = tpu.sem_alloc : memref<!tpu.dma_semaphore, #tpu.memory_space<semaphore_mem>>
        %dma_start3A_522 = arith.constant 0 : i32
        %dma_start3A_523 = arith.constant 0 : i32
        %dma_start3A_524 = tpu.memref_slice %arg15[%dma_start3A_522, %dma_start3A_523] : memref<10112x128xf32, #tpu.memory_space<vmem_shared>> -> memref<10112x128xf32, #tpu.memory_space<vmem_shared>>
        tpu.enqueue_indirect_dma source(%arg14 : memref<64x128xf32, #tpu.memory_space<vmem>>) target(%dma_start3A_524 : memref<10112x128xf32, #tpu.memory_space<vmem_shared>>) offsets(%arg11 : memref<64xi32, #tpu.memory_space<vmem>>) semaphore(%run_scoped3A : memref<!tpu.dma_semaphore, #tpu.memory_space<semaphore_mem>>) {add = true}
        %dma_wait3A_525 = arith.constant 0 : i32
        %dma_wait3A_526 = arith.constant 0 : i32
        %dma_wait3A_527 = tpu.memref_slice %arg15[%dma_wait3A_525, %dma_wait3A_526] : memref<10112x128xf32, #tpu.memory_space<vmem_shared>> -> memref<10112x128xf32, #tpu.memory_space<vmem_shared>>
        tpu.wait_indirect_dma semaphore(%run_scoped3A : memref<!tpu.dma_semaphore, #tpu.memory_space<semaphore_mem>>) src(%arg14 : memref<64x128xf32, #tpu.memory_space<vmem>>) dst(%dma_wait3A_527 : memref<10112x128xf32, #tpu.memory_space<vmem_shared>>)
        tpu.yield
      }) : () -> ()
      %add3A_443 = arith.constant 2 : i32
      %add3A_444 = arith.addi %add3A_275, %add3A_443 : i32
      %add3A_445 = arith.constant 3 : i32
      %add3A_446 = arith.addi %add3A_444, %add3A_445 : i32
      %get3A_447 = arith.index_cast %add3A_446 : i32 to index
      %get3A_448 = arith.constant 0 : index
      %get3A_449 = tpu.vector_load %arg5[%get3A_447, %get3A_448] {strides = array<i32>} : memref<167x64xi32, #tpu.memory_space<vmem>>, vector<1x16xi32>,
      %get3A_450 = vector.shape_cast %get3A_449 : vector<1x16xi32> to vector<16xi32>
      %and3A_451 = arith.constant 65535 : i32
      %and3A_452 = vector.broadcast %and3A_451 : i32 to vector<16xi32>
      %and3A_453 = arith.andi %get3A_450, %and3A_452 : vector<16xi32>
      %swap3A_454 = arith.constant 0 : index
      %swap3A_455 = tpu.vector_load %arg10[%swap3A_454] {strides = array<i32>} : memref<64xi32, #tpu.memory_space<vmem>>, vector<16xi32>,
      %swap3A_456 = vector.shape_cast %swap3A_455 : vector<16xi32> to vector<16xi32>
      %swap3A_457 = vector.shape_cast %and3A_453 : vector<16xi32> to vector<16xi32>
      tpu.vector_store %arg10[%swap3A_454], %swap3A_457 {strides = array<i32>} : memref<64xi32, #tpu.memory_space<vmem>>, vector<16xi32>,
      %shift_right_logical3A_458 = arith.constant 16 : i32
      %shift_right_logical3A_459 = vector.broadcast %shift_right_logical3A_458 : i32 to vector<16xi32>
      %shift_right_logical3A_460 = arith.shrui %get3A_450, %shift_right_logical3A_459 : vector<16xi32>
      %swap3A_461 = arith.constant 0 : index
      %swap3A_462 = tpu.vector_load %arg11[%swap3A_461] {strides = array<i32>} : memref<64xi32, #tpu.memory_space<vmem>>, vector<16xi32>,
      %swap3A_463 = vector.shape_cast %swap3A_462 : vector<16xi32> to vector<16xi32>
      %swap3A_464 = vector.shape_cast %shift_right_logical3A_460 : vector<16xi32> to vector<16xi32>
      tpu.vector_store %arg11[%swap3A_461], %swap3A_464 {strides = array<i32>} : memref<64xi32, #tpu.memory_space<vmem>>, vector<16xi32>,
      %get3A_465 = arith.index_cast %add3A_446 : i32 to index
      %get3A_466 = arith.constant 16 : index
      %get3A_467 = tpu.vector_load %arg5[%get3A_465, %get3A_466] {strides = array<i32>} : memref<167x64xi32, #tpu.memory_space<vmem>>, vector<1x16xi32>,
      %get3A_468 = vector.shape_cast %get3A_467 : vector<1x16xi32> to vector<16xi32>
      %and3A_469 = arith.constant 65535 : i32
      %and3A_470 = vector.broadcast %and3A_469 : i32 to vector<16xi32>
      %and3A_471 = arith.andi %get3A_468, %and3A_470 : vector<16xi32>
      %swap3A_472 = arith.constant 16 : index
      %swap3A_473 = tpu.vector_load %arg10[%swap3A_472] {strides = array<i32>} : memref<64xi32, #tpu.memory_space<vmem>>, vector<16xi32>,
      %swap3A_474 = vector.shape_cast %swap3A_473 : vector<16xi32> to vector<16xi32>
      %swap3A_475 = vector.shape_cast %and3A_471 : vector<16xi32> to vector<16xi32>
      tpu.vector_store %arg10[%swap3A_472], %swap3A_475 {strides = array<i32>} : memref<64xi32, #tpu.memory_space<vmem>>, vector<16xi32>,
      %shift_right_logical3A_476 = arith.constant 16 : i32
      %shift_right_logical3A_477 = vector.broadcast %shift_right_logical3A_476 : i32 to vector<16xi32>
      %shift_right_logical3A_478 = arith.shrui %get3A_468, %shift_right_logical3A_477 : vector<16xi32>
      %swap3A_479 = arith.constant 16 : index
      %swap3A_480 = tpu.vector_load %arg11[%swap3A_479] {strides = array<i32>} : memref<64xi32, #tpu.memory_space<vmem>>, vector<16xi32>,
      %swap3A_481 = vector.shape_cast %swap3A_480 : vector<16xi32> to vector<16xi32>
      %swap3A_482 = vector.shape_cast %shift_right_logical3A_478 : vector<16xi32> to vector<16xi32>
      tpu.vector_store %arg11[%swap3A_479], %swap3A_482 {strides = array<i32>} : memref<64xi32, #tpu.memory_space<vmem>>, vector<16xi32>,
      %get3A_483 = arith.index_cast %add3A_446 : i32 to index
      %get3A_484 = arith.constant 32 : index
      %get3A_485 = tpu.vector_load %arg5[%get3A_483, %get3A_484] {strides = array<i32>} : memref<167x64xi32, #tpu.memory_space<vmem>>, vector<1x16xi32>,
      %get3A_486 = vector.shape_cast %get3A_485 : vector<1x16xi32> to vector<16xi32>
      %and3A_487 = arith.constant 65535 : i32
      %and3A_488 = vector.broadcast %and3A_487 : i32 to vector<16xi32>
      %and3A_489 = arith.andi %get3A_486, %and3A_488 : vector<16xi32>
      %swap3A_490 = arith.constant 32 : index
      %swap3A_491 = tpu.vector_load %arg10[%swap3A_490] {strides = array<i32>} : memref<64xi32, #tpu.memory_space<vmem>>, vector<16xi32>,
      %swap3A_492 = vector.shape_cast %swap3A_491 : vector<16xi32> to vector<16xi32>
      %swap3A_493 = vector.shape_cast %and3A_489 : vector<16xi32> to vector<16xi32>
      tpu.vector_store %arg10[%swap3A_490], %swap3A_493 {strides = array<i32>} : memref<64xi32, #tpu.memory_space<vmem>>, vector<16xi32>,
      %shift_right_logical3A_494 = arith.constant 16 : i32
      %shift_right_logical3A_495 = vector.broadcast %shift_right_logical3A_494 : i32 to vector<16xi32>
      %shift_right_logical3A_496 = arith.shrui %get3A_486, %shift_right_logical3A_495 : vector<16xi32>
      %swap3A_497 = arith.constant 32 : index
      %swap3A_498 = tpu.vector_load %arg11[%swap3A_497] {strides = array<i32>} : memref<64xi32, #tpu.memory_space<vmem>>, vector<16xi32>,
      %swap3A_499 = vector.shape_cast %swap3A_498 : vector<16xi32> to vector<16xi32>
      %swap3A_500 = vector.shape_cast %shift_right_logical3A_496 : vector<16xi32> to vector<16xi32>
      tpu.vector_store %arg11[%swap3A_497], %swap3A_500 {strides = array<i32>} : memref<64xi32, #tpu.memory_space<vmem>>, vector<16xi32>,
      %get3A_501 = arith.index_cast %add3A_446 : i32 to index
      %get3A_502 = arith.constant 48 : index
      %get3A_503 = tpu.vector_load %arg5[%get3A_501, %get3A_502] {strides = array<i32>} : memref<167x64xi32, #tpu.memory_space<vmem>>, vector<1x16xi32>,
      %get3A_504 = vector.shape_cast %get3A_503 : vector<1x16xi32> to vector<16xi32>
      %and3A_505 = arith.constant 65535 : i32
      %and3A_506 = vector.broadcast %and3A_505 : i32 to vector<16xi32>
      %and3A_507 = arith.andi %get3A_504, %and3A_506 : vector<16xi32>
      %swap3A_508 = arith.constant 48 : index
      %swap3A_509 = tpu.vector_load %arg10[%swap3A_508] {strides = array<i32>} : memref<64xi32, #tpu.memory_space<vmem>>, vector<16xi32>,
      %swap3A_510 = vector.shape_cast %swap3A_509 : vector<16xi32> to vector<16xi32>
      %swap3A_511 = vector.shape_cast %and3A_507 : vector<16xi32> to vector<16xi32>
      tpu.vector_store %arg10[%swap3A_508], %swap3A_511 {strides = array<i32>} : memref<64xi32, #tpu.memory_space<vmem>>, vector<16xi32>,
      %shift_right_logical3A_512 = arith.constant 16 : i32
      %shift_right_logical3A_513 = vector.broadcast %shift_right_logical3A_512 : i32 to vector<16xi32>
      %shift_right_logical3A_514 = arith.shrui %get3A_504, %shift_right_logical3A_513 : vector<16xi32>
      %swap3A_515 = arith.constant 48 : index
      %swap3A_516 = tpu.vector_load %arg11[%swap3A_515] {strides = array<i32>} : memref<64xi32, #tpu.memory_space<vmem>>, vector<16xi32>,
      %swap3A_517 = vector.shape_cast %swap3A_516 : vector<16xi32> to vector<16xi32>
      %swap3A_518 = vector.shape_cast %shift_right_logical3A_514 : vector<16xi32> to vector<16xi32>
      tpu.vector_store %arg11[%swap3A_515], %swap3A_518 {strides = array<i32>} : memref<64xi32, #tpu.memory_space<vmem>>, vector<16xi32>,
      %dma_start3A_519 = arith.constant 0 : i32
      %dma_start3A_520 = arith.constant 0 : i32
      %dma_start3A_521 = tpu.memref_slice %arg2[%dma_start3A_519, %dma_start3A_520] : memref<10000x128xf32, #tpu.memory_space<hbm>> -> memref<10000x128xf32, #tpu.memory_space<hbm>>
      tpu.enqueue_indirect_dma source(%dma_start3A_521 : memref<10000x128xf32, #tpu.memory_space<hbm>>) target(%arg14 : memref<64x128xf32, #tpu.memory_space<vmem>>) offsets(%arg10 : memref<64xi32, #tpu.memory_space<vmem>>) semaphore(%arg18 : memref<!tpu.dma_semaphore, #tpu.memory_space<semaphore_mem>>)
    }
    %scan3A_252 = arith.constant 53 : i32
    %dma_wait3A = arith.constant 0 : i32
    %dma_wait3A_253 = arith.constant 0 : i32
    %dma_wait3A_254 = tpu.memref_slice %arg2[%dma_wait3A, %dma_wait3A_253] : memref<10000x128xf32, #tpu.memory_space<hbm>> -> memref<10000x128xf32, #tpu.memory_space<hbm>>
    tpu.wait_indirect_dma semaphore(%arg16 : memref<!tpu.dma_semaphore, #tpu.memory_space<semaphore_mem>>) src(%dma_wait3A_254 : memref<10000x128xf32, #tpu.memory_space<hbm>>) dst(%arg12 : memref<64x128xf32, #tpu.memory_space<vmem>>)
    %dma_wait3A_255 = arith.constant 0 : i32
    %dma_wait3A_256 = arith.constant 0 : i32
    %dma_wait3A_257 = tpu.memref_slice %arg2[%dma_wait3A_255, %dma_wait3A_256] : memref<10000x128xf32, #tpu.memory_space<hbm>> -> memref<10000x128xf32, #tpu.memory_space<hbm>>
    tpu.wait_indirect_dma semaphore(%arg17 : memref<!tpu.dma_semaphore, #tpu.memory_space<semaphore_mem>>) src(%dma_wait3A_257 : memref<10000x128xf32, #tpu.memory_space<hbm>>) dst(%arg13 : memref<64x128xf32, #tpu.memory_space<vmem>>)
    %dma_wait3A_258 = arith.constant 0 : i32
    %dma_wait3A_259 = arith.constant 0 : i32
    %dma_wait3A_260 = tpu.memref_slice %arg2[%dma_wait3A_258, %dma_wait3A_259] : memref<10000x128xf32, #tpu.memory_space<hbm>> -> memref<10000x128xf32, #tpu.memory_space<hbm>>
    tpu.wait_indirect_dma semaphore(%arg18 : memref<!tpu.dma_semaphore, #tpu.memory_space<semaphore_mem>>) src(%dma_wait3A_260 : memref<10000x128xf32, #tpu.memory_space<hbm>>) dst(%arg14 : memref<64x128xf32, #tpu.memory_space<vmem>>)
    %barrier3A_261 = arith.constant 0 : index
    tpu.barrier barrier_id(%barrier3A_261)
    %scan3A_262 = arith.constant 0 : i32
    %scan3A_263 = arith.constant 9 : i32
    %scan3A_264 = arith.addi %scan3A_262, %scan3A_263 : i32
    %scan3A_265 = arith.constant 1 : i32
    scf.for %scan3A_271 = %scan3A_262 to %scan3A_264 step %scan3A_265  : i32 {
      %mul3A_272 = arith.constant 1 : i32
      %mul3A_273 = arith.muli %scan3A_271, %mul3A_272 : i32
      %add3A_274 = arith.constant 0 : i32
      %add3A_275 = arith.addi %add3A_274, %mul3A_273 : i32
      %mul3A_276 = arith.constant 64 : i32
      %mul3A_277 = arith.muli %add3A_275, %mul3A_276 : i32
      %add3A_278 = arith.addi %mul3A_7, %mul3A_277 : i32
      "tpu.region"() ({
        %run_scoped3A = tpu.sem_alloc : memref<!tpu.dma_semaphore, #tpu.memory_space<semaphore_mem>>
        %dma_start3A_279 = arith.constant 0 : i32
        %dma_start3A_280 = tpu.memref_slice %arg4[%arg0, %add3A_278, %dma_start3A_279] : memref<2x10112x128xf32, #tpu.memory_space<hbm>> -> memref<1x64x128xf32, #tpu.memory_space<hbm>>
        %dma_start3A_281 = tpu.memref_squeeze %dma_start3A_280 : memref<1x64x128xf32, #tpu.memory_space<hbm>> -> memref<64x128xf32, #tpu.memory_space<hbm>>
        %dma_start3A_282 = arith.constant 0 : i32
        %dma_start3A_283 = tpu.memref_slice %arg15[%add3A_278, %dma_start3A_282] : memref<10112x128xf32, #tpu.memory_space<vmem_shared>> -> memref<64x128xf32, #tpu.memory_space<vmem_shared>>
        tpu.enqueue_dma source(%dma_start3A_283 : memref<64x128xf32, #tpu.memory_space<vmem_shared>>) target(%dma_start3A_281 : memref<64x128xf32, #tpu.memory_space<hbm>>) target_semaphore(%run_scoped3A : memref<!tpu.dma_semaphore, #tpu.memory_space<semaphore_mem>>)
        %dma_wait3A_284 = arith.constant 0 : i32
        %dma_wait3A_285 = tpu.memref_slice %arg4[%arg0, %add3A_278, %dma_wait3A_284] : memref<2x10112x128xf32, #tpu.memory_space<hbm>> -> memref<1x64x128xf32, #tpu.memory_space<hbm>>
        %dma_wait3A_286 = tpu.memref_squeeze %dma_wait3A_285 : memref<1x64x128xf32, #tpu.memory_space<hbm>> -> memref<64x128xf32, #tpu.memory_space<hbm>>
        %dma_wait3A_287 = arith.constant 0 : i32
        %dma_wait3A_288 = tpu.memref_slice %arg15[%add3A_278, %dma_wait3A_287] : memref<10112x128xf32, #tpu.memory_space<vmem_shared>> -> memref<64x128xf32, #tpu.memory_space<vmem_shared>>
        tpu.wait_dma2 semaphore(%run_scoped3A : memref<!tpu.dma_semaphore, #tpu.memory_space<semaphore_mem>>) src(%dma_wait3A_288 : memref<64x128xf32, #tpu.memory_space<vmem_shared>>) dst(%dma_wait3A_286 : memref<64x128xf32, #tpu.memory_space<hbm>>)
        tpu.yield
      }) : () -> ()
    }
    %scan3A_266 = arith.constant 9 : i32
    %add3A_267 = arith.constant 632 : i32
    %add3A_268 = arith.addi %mul3A_7, %add3A_267 : i32
    %sub3A_269 = arith.constant 56 : i32
    %sub3A_270 = arith.subi %add3A_268, %sub3A_269 : i32
    "tpu.region"() ({
      %run_scoped3A = tpu.sem_alloc : memref<!tpu.dma_semaphore, #tpu.memory_space<semaphore_mem>>
      %dma_start3A_271 = arith.constant 0 : i32
      %dma_start3A_272 = tpu.memref_slice %arg4[%arg0, %sub3A_270, %dma_start3A_271] : memref<2x10112x128xf32, #tpu.memory_space<hbm>> -> memref<1x56x128xf32, #tpu.memory_space<hbm>>
      %dma_start3A_273 = tpu.memref_squeeze %dma_start3A_272 : memref<1x56x128xf32, #tpu.memory_space<hbm>> -> memref<56x128xf32, #tpu.memory_space<hbm>>
      %dma_start3A_274 = arith.constant 0 : i32
      %dma_start3A_275 = tpu.memref_slice %arg15[%sub3A_270, %dma_start3A_274] : memref<10112x128xf32, #tpu.memory_space<vmem_shared>> -> memref<56x128xf32, #tpu.memory_space<vmem_shared>>
      tpu.enqueue_dma source(%dma_start3A_275 : memref<56x128xf32, #tpu.memory_space<vmem_shared>>) target(%dma_start3A_273 : memref<56x128xf32, #tpu.memory_space<hbm>>) target_semaphore(%run_scoped3A : memref<!tpu.dma_semaphore, #tpu.memory_space<semaphore_mem>>)
      %dma_wait3A_276 = arith.constant 0 : i32
      %dma_wait3A_277 = tpu.memref_slice %arg4[%arg0, %sub3A_270, %dma_wait3A_276] : memref<2x10112x128xf32, #tpu.memory_space<hbm>> -> memref<1x56x128xf32, #tpu.memory_space<hbm>>
      %dma_wait3A_278 = tpu.memref_squeeze %dma_wait3A_277 : memref<1x56x128xf32, #tpu.memory_space<hbm>> -> memref<56x128xf32, #tpu.memory_space<hbm>>
      %dma_wait3A_279 = arith.constant 0 : i32
      %dma_wait3A_280 = tpu.memref_slice %arg15[%sub3A_270, %dma_wait3A_279] : memref<10112x128xf32, #tpu.memory_space<vmem_shared>> -> memref<56x128xf32, #tpu.memory_space<vmem_shared>>
      tpu.wait_dma2 semaphore(%run_scoped3A : memref<!tpu.dma_semaphore, #tpu.memory_space<semaphore_mem>>) src(%dma_wait3A_280 : memref<56x128xf32, #tpu.memory_space<vmem_shared>>) dst(%dma_wait3A_278 : memref<56x128xf32, #tpu.memory_space<hbm>>)
      tpu.yield
    }) : () -> ()
    return
  }
}

module attributes {stable_mosaic.version = 14 : i64} {
  func.func @_mlp_body(%arg0: i32, %arg1: memref<1000x128xf32, #tpu.memory_space<vmem>>, %arg2: memref<1x1000x128xf32, #tpu.memory_space<vmem>>, %arg3: memref<1x1000x128xf32, #tpu.memory_space<vmem>>, %arg4: memref<128x128xf32, #tpu.memory_space<vmem>>, %arg5: memref<1x128xf32, #tpu.memory_space<vmem>>, %arg6: memref<128x128xf32, #tpu.memory_space<vmem>>, %arg7: memref<1x128xf32, #tpu.memory_space<vmem>>, %arg8: memref<1000x128xf32, #tpu.memory_space<vmem>>) attributes {dimension_semantics = [#tpu.dimension_semantics<arbitrary>], iteration_bounds = array<i64: 10>, scalar_prefetch = 0 : i64, scratch_operands = 0 : i64, tpu.core_type = #tpu.core_type<tc>, window_params = [{transform_indices = @transform_0, window_bounds = array<i64: 1000, 128>}, {transform_indices = @transform_1, window_bounds = array<i64: 1, 1000, 128>}, {transform_indices = @transform_2, window_bounds = array<i64: 1, 1000, 128>}, {pipeline_mode = #tpu.pipeline_mode<synchronous>, transform_indices = @transform_3, window_bounds = array<i64: 128, 128>}, {pipeline_mode = #tpu.pipeline_mode<synchronous>, transform_indices = @transform_4, window_bounds = array<i64: 1, 128>}, {pipeline_mode = #tpu.pipeline_mode<synchronous>, transform_indices = @transform_5, window_bounds = array<i64: 128, 128>}, {pipeline_mode = #tpu.pipeline_mode<synchronous>, transform_indices = @transform_6, window_bounds = array<i64: 1, 128>}, {transform_indices = @transform_7, window_bounds = array<i64: 1000, 128>}]} {
    %get3A = arith.constant 0 : index
    %get3A_0 = arith.constant 0 : index
    %get3A_1 = vector.load %arg1[%get3A, %get3A_0] : memref<1000x128xf32, #tpu.memory_space<vmem>>, vector<1000x128xf32>
    %get3A_2 = arith.constant 0 : index
    %get3A_3 = arith.constant 0 : index
    %get3A_4 = arith.constant 0 : index
    %get3A_5 = vector.load %arg2[%get3A_2, %get3A_3, %get3A_4] : memref<1x1000x128xf32, #tpu.memory_space<vmem>>, vector<1x1000x128xf32>
    %get3A_6 = vector.shape_cast %get3A_5 : vector<1x1000x128xf32> to vector<1000x128xf32>
    %add3A = arith.addf %get3A_1, %get3A_6 : vector<1000x128xf32>
    %get3A_7 = arith.constant 0 : index
    %get3A_8 = arith.constant 0 : index
    %get3A_9 = arith.constant 0 : index
    %get3A_10 = vector.load %arg3[%get3A_7, %get3A_8, %get3A_9] : memref<1x1000x128xf32, #tpu.memory_space<vmem>>, vector<1x1000x128xf32>
    %get3A_11 = vector.shape_cast %get3A_10 : vector<1x1000x128xf32> to vector<1000x128xf32>
    %add3A_12 = arith.addf %add3A, %get3A_11 : vector<1000x128xf32>
    %get3A_13 = arith.constant 0 : index
    %get3A_14 = arith.constant 0 : index
    %get3A_15 = vector.load %arg4[%get3A_13, %get3A_14] : memref<128x128xf32, #tpu.memory_space<vmem>>, vector<128x128xf32>
    %dot_general3A = arith.constant dense<0.000000e+00> : vector<1000x128xf32>
    %dot_general3A_16 = tpu.matmul %add3A_12, %get3A_15, %dot_general3A {dimension_numbers = #tpu.dot_dimension_numbers<[1], [0], [0], [1], [0, 0, 1, 1], [], []>, transpose_lhs_hint = false} : vector<1000x128xf32>, vector<128x128xf32>, vector<1000x128xf32> -> vector<1000x128xf32>
    %get3A_17 = arith.constant 0 : index
    %get3A_18 = arith.constant 0 : index
    %get3A_19 = vector.load %arg5[%get3A_17, %get3A_18] : memref<1x128xf32, #tpu.memory_space<vmem>>, vector<1x128xf32>
    %add3A_20 = vector.broadcast %get3A_19 : vector<1x128xf32> to vector<1000x128xf32>
    %add3A_21 = arith.addf %dot_general3A_16, %add3A_20 : vector<1000x128xf32>
    %max3A = arith.constant 0.000000e+00 : f32
    %max3A_22 = vector.broadcast %max3A : f32 to vector<1000x128xf32>
    %max3A_23 = arith.maximumf %add3A_21, %max3A_22 : vector<1000x128xf32>
    %get3A_24 = arith.constant 0 : index
    %get3A_25 = arith.constant 0 : index
    %get3A_26 = vector.load %arg6[%get3A_24, %get3A_25] : memref<128x128xf32, #tpu.memory_space<vmem>>, vector<128x128xf32>
    %dot_general3A_27 = arith.constant dense<0.000000e+00> : vector<1000x128xf32>
    %dot_general3A_28 = tpu.matmul %max3A_23, %get3A_26, %dot_general3A_27 {dimension_numbers = #tpu.dot_dimension_numbers<[1], [0], [0], [1], [0, 0, 1, 1], [], []>, transpose_lhs_hint = false} : vector<1000x128xf32>, vector<128x128xf32>, vector<1000x128xf32> -> vector<1000x128xf32>
    %get3A_29 = arith.constant 0 : index
    %get3A_30 = arith.constant 0 : index
    %get3A_31 = vector.load %arg7[%get3A_29, %get3A_30] : memref<1x128xf32, #tpu.memory_space<vmem>>, vector<1x128xf32>
    %add3A_32 = vector.broadcast %get3A_31 : vector<1x128xf32> to vector<1000x128xf32>
    %add3A_33 = arith.addf %dot_general3A_28, %add3A_32 : vector<1000x128xf32>
    %max3A_34 = arith.constant 0.000000e+00 : f32
    %max3A_35 = vector.broadcast %max3A_34 : f32 to vector<1000x128xf32>
    %max3A_36 = arith.maximumf %add3A_33, %max3A_35 : vector<1000x128xf32>
    %add3A_37 = arith.addf %get3A_1, %max3A_36 : vector<1000x128xf32>
    %swap3A = arith.constant 0 : index
    %swap3A_38 = arith.constant 0 : index
    %swap3A_39 = vector.load %arg8[%swap3A, %swap3A_38] : memref<1000x128xf32, #tpu.memory_space<vmem>>, vector<1000x128xf32>
    tpu.vector_store %arg8[%swap3A, %swap3A_38], %add3A_37 {strides = array<i32>} : memref<1000x128xf32, #tpu.memory_space<vmem>>, vector<1000x128xf32>,
    return
  }
  func.func @transform_0(%arg0: i32) -> (i32, i32) {
    %c0_i32 = arith.constant 0 : i32
    %c0_i32_0 = arith.constant 0 : i32
    return %arg0, %c0_i32 : i32, i32
  }
  func.func @transform_1(%arg0: i32) -> (i32, i32, i32) {
    %c0_i32 = arith.constant 0 : i32
    %c0_i32_0 = arith.constant 0 : i32
    %c0_i32_1 = arith.constant 0 : i32
    return %c0_i32, %arg0, %c0_i32_0 : i32, i32, i32
  }
  func.func @transform_2(%arg0: i32) -> (i32, i32, i32) {
    %c1_i32 = arith.constant 1 : i32
    %c0_i32 = arith.constant 0 : i32
    %c0_i32_0 = arith.constant 0 : i32
    return %c1_i32, %arg0, %c0_i32 : i32, i32, i32
  }
  func.func @transform_3(%arg0: i32) -> (i32, i32) {
    %c0_i32 = arith.constant 0 : i32
    %c0_i32_0 = arith.constant 0 : i32
    %c0_i32_1 = arith.constant 0 : i32
    return %c0_i32, %c0_i32_0 : i32, i32
  }
  func.func @transform_4(%arg0: i32) -> (i32, i32) {
    %c0_i32 = arith.constant 0 : i32
    %c0_i32_0 = arith.constant 0 : i32
    %c0_i32_1 = arith.constant 0 : i32
    return %c0_i32, %c0_i32_0 : i32, i32
  }
  func.func @transform_5(%arg0: i32) -> (i32, i32) {
    %c0_i32 = arith.constant 0 : i32
    %c0_i32_0 = arith.constant 0 : i32
    %c0_i32_1 = arith.constant 0 : i32
    return %c0_i32, %c0_i32_0 : i32, i32
  }
  func.func @transform_6(%arg0: i32) -> (i32, i32) {
    %c0_i32 = arith.constant 0 : i32
    %c0_i32_0 = arith.constant 0 : i32
    %c0_i32_1 = arith.constant 0 : i32
    return %c0_i32, %c0_i32_0 : i32, i32
  }
  func.func @transform_7(%arg0: i32) -> (i32, i32) {
    %c0_i32 = arith.constant 0 : i32
    %c0_i32_0 = arith.constant 0 : i32
    return %arg0, %c0_i32 : i32, i32
  }
}

</mosaic_0001>

<sc_bundles>
// kernel: kernel.4.cloned.1.call-start
scs
__scs_entry_jumppad:
0x0: {  	(pc) =	sbr.rel $0x88, $3  }
0x1: {  	(tag) =	ssettag $0x0;
	lr =	simm.s32 $0x1  }
0x2: {  	[smem:$0x3F9B] =	sst lr;
	_ =	strace $0xD0000000  }
0x3: {  	_ = 	snop  }
0x4: {  	_ = 	snop  }
0x5: {  	_ = 	snop  }
0x6: {  	_ = 	snop  }
0x7: {  	_ = 	snop  }
__scs_overlays_trampoline_lowered:
0x8: {  	[smem:$0x3FAA] =	sst s0  }
0x9: {  	[smem:$0x3FAB] =	sst s1  }
0xa: {  	[smem:$0x3FAC] =	sst s2  }
0xb: {  	[smem:$0x3FAD] =	sst s3  }
0xc: {  	[smem:$0x3FAE] =	sst s4  }
0xd: {  	[smem:$0x3FAF] =	sst s5  }
0xe: {  	[smem:$0x3FB0] =	sst s6  }
0xf: {  	[smem:$0x3FB1] =	sst s7  }
0x10: {  	[smem:$0x3FB2] =	sst s8  }
0x11: {  	[smem:$0x3FB3] =	sst s9;
	s0 =	simm.s32 @!p0 $0x0  }
0x12: {  	s1 =	sld [smem:$0x3F99];
	s0 =	simm.s32 @p0 $0x1  }
0x13: {  	[smem:$0x3FB4] =	sst s0;
	s0 =	simm.s32 @!p1 $0x0  }
0x14: {  	s2 =	sld [smem:$0x3F98];
	s0 =	simm.s32 @p1 $0x1  }
0x15: {  	[smem:$0x3FB5] =	sst s0;
	s0 =	simm.s32 @!p2 $0x0  }
0x16: {  	s3 =	sld [smem:$0x3FDB];
	s0 =	simm.s32 @p2 $0x1  }
0x17: {  	s4 =	simm.s32 $0x1BF5;
	[smem:$0x3FB7] =	sst s0  }
0x18: {  	s0 =	sld [smem:$0x3F9A];
	_ =	swait.ge [sflag:s4], $0x0  }
0x19: {  	s7 =	sld [smem:$0x3F9B]  }
0x1a: {  	s8 =	sadd.s32 $0xFFFFE003, lr  }
0x1b: {  	s9 =	sadd.s32 $0xFFFFFEF7, lr;
	s5 =	simm.s32 $0xFFFFFFFF;
	p2 =	slt.u32 s8, $0xFFFFF086  }
0x1c: {  	p1 =	slt.u32 s9, $0xF7A;
	s5 =	simm.s32 @!p2 $0x0  }
0x1d: {  	s5 =	simm.s32 @p1 $0x1;
	p0 =	seq.s32 s7, s2  }
0x1e: {  	s7 =	smul.u32 @!p0 $0xF7A, s2;
	p2 =	seq.s32 @!p0 s5, $0x0  }
0x1f: {  	s9 =	smul.u32 $0xF7A, s1;
	s8 =	simm.s32 @!p0 $0x1BF5;
	p2 =	por !p2, p0  }
0x20: {  	[sflag:s8] =	ssyncset.s32 @!p0 $0xFFFFF086;
	s6 =	sadd.s32 @!p0 s3, s7;
	s7 =	simm.s32 @!p0 $0x108  }
0x21: {  	s3 =	sadd.s32 s3, s9;
	s6 =	sadd.s32 @!p0 $0x88, s6;
	s7 =	simm.s32 @p2 $0x1082  }
0x22: {  	[simem:s7], [sflag:s8] =	dma.local @!p0 [hbm:s6], $0xF7A  }
0x23: {  	s9 =	sor.u32 $0xD0000000, s2;
	s6 =	simm.s32 $0x108;
	_ =	swait.ge @!p0 [sflag:s8], $0x0  }
0x24: {  	s3 =	sadd.s32 $0x88, s3;
	s6 =	simm.s32 @!p1 $0x1082;
	[sflag:s4] =	ssyncset.s32 $0xFFFFF086  }
0x25: {  	[simem:s6], [sflag:s4] =	dma.local [hbm:s3], $0xF7A  }
0x26: {  	[smem:$0x3F9B] =	sst s1;
	(tag) =	ssettag s2;
	_ =	strace s9  }
0x27: {  	s1 =	sld [smem:$0x3FAB]  }
0x28: {  	s2 =	sld [smem:$0x3FAC]  }
0x29: {  	s4 =	sld [smem:$0x3FAE]  }
0x2a: {  	p0 =	seq.s32 s5, $0x0;
	s5 =	sld [smem:$0x3FAF]  }
0x2b: {  	s6 =	sld [smem:$0x3FB0]  }
0x2c: {  	s7 =	sld [smem:$0x3FB1]  }
0x2d: {  	s3 =	simm.s32 $0x108;
	s8 =	sld [smem:$0x3FB2]  }
0x2e: {  	s3 =	simm.s32 @!p0 $0x1082;
	s9 =	sld [smem:$0x3FB3]  }
0x2f: {  	lr =	sadd.s32 s0, s3;
	s0 =	sld [smem:$0x3FAA]  }
0x30: {  	s3 =	sld [smem:$0x3FAD]  }
0x31: {  	[smem:$0x3FB6] =	sst s10  }
0x32: {  	s10 =	sld [smem:$0x3FB4];
	_ =	sdelay $0x3  }
0x33: {  	p0 =	seq.s32 s10, $0x1;
	s10 =	sld [smem:$0x3FB6];
	_ =	sdelay $0x3  }
0x34: {  	[smem:$0x3FB6] =	sst s10  }
0x35: {  	s10 =	sld [smem:$0x3FB5];
	_ =	sdelay $0x3  }
0x36: {  	p1 =	seq.s32 s10, $0x1;
	s10 =	sld [smem:$0x3FB6];
	_ =	sdelay $0x3  }
0x37: {  	[smem:$0x3FB6] =	sst s10  }
0x38: {  	s10 =	sld [smem:$0x3FB7]  }
0x39: {  	_ = 	snop;
	(pc) =	sbr.ind lr, $3  }
0x3a: {  	_ = 	snop  }
0x3b: {  	_ = 	snop  }
0x3c: {  	p2 =	seq.s32 s10, $0x1;
	s10 =	sld [smem:$0x3FB6]  }
0x3d: {  	_ =	shalt  }
0x3e: {  	_ =	shalt  }
0x3f: {  	_ =	shalt  }
0x40: {  	_ =	shalt  }
0x41: {  	_ =	shalt  }
0x42: {  	_ =	shalt  }
0x43: {  	_ =	shalt  }
0x44: {  	_ =	shalt  }
0x45: {  	_ =	shalt  }
0x46: {  	_ =	shalt  }
0x47: {  	_ =	shalt  }
0x48: {  	_ =	shalt  }
0x49: {  	_ =	shalt  }
0x4a: {  	_ =	shalt  }
0x4b: {  	_ =	shalt  }
0x4c: {  	_ =	shalt  }
0x4d: {  	_ =	shalt  }
0x4e: {  	_ =	shalt  }
0x4f: {  	_ =	shalt  }
0x50: {  	_ =	shalt  }
0x51: {  	_ =	shalt  }
0x52: {  	_ =	shalt  }
0x53: {  	_ =	shalt  }
0x54: {  	_ =	shalt  }
0x55: {  	_ =	shalt  }
0x56: {  	_ =	shalt  }
0x57: {  	_ =	shalt  }
0x58: {  	_ =	shalt  }
0x59: {  	_ =	shalt  }
0x5a: {  	_ =	shalt  }
0x5b: {  	_ =	shalt  }
0x5c: {  	_ =	shalt  }
0x5d: {  	_ =	shalt  }
0x5e: {  	_ =	shalt  }
0x5f: {  	_ =	shalt  }
0x60: {  	_ =	shalt  }
0x61: {  	_ =	shalt  }
0x62: {  	_ =	shalt  }
0x63: {  	_ =	shalt  }
0x64: {  	_ =	shalt  }
0x65: {  	_ =	shalt  }
0x66: {  	_ =	shalt  }
0x67: {  	_ =	shalt  }
0x68: {  	_ =	shalt  }
0x69: {  	_ =	shalt  }
0x6a: {  	_ =	shalt  }
0x6b: {  	_ =	shalt  }
0x6c: {  	_ =	shalt  }
0x6d: {  	_ =	shalt  }
0x6e: {  	_ =	shalt  }
0x6f: {  	_ =	shalt  }
0x70: {  	_ =	shalt  }
0x71: {  	_ =	shalt  }
0x72: {  	_ =	shalt  }
0x73: {  	_ =	shalt  }
0x74: {  	_ =	shalt  }
0x75: {  	_ =	shalt  }
0x76: {  	_ =	shalt  }
0x77: {  	_ =	shalt  }
0x78: {  	_ =	shalt  }
0x79: {  	_ =	shalt  }
0x7a: {  	_ =	shalt  }
0x7b: {  	_ =	shalt  }
0x7c: {  	_ =	shalt  }
0x7d: {  	_ =	shalt  }
0x7e: {  	_ =	shalt  }
0x7f: {  	_ =	shalt  }
0x80: {  	_ =	shalt  }
0x81: {  	_ =	shalt  }
0x82: {  	_ =	shalt  }
0x83: {  	_ =	shalt  }
0x84: {  	_ =	shalt  }
0x85: {  	_ =	shalt  }
0x86: {  	_ =	shalt  }
0x87: {  	_ =	shalt  }
.Lfunc_end0:
.L_simem_size_0:
called_computation_lowered:
.L_overlay_start_0:
0x88: {  	s2 =	sld [smem:$0x3FD9]  }
0x89: {  	s3 =	sld [smem:$0x3FFE];
	_ =	sdelay $0x1  }
0x8a: {  	s1 =	srdreg.scid  }
0x8b: {  	s0 =	sand.u32 $0x1, s1  }
0x8c: {  	s17 =	sshll.u32 s0, $0xA;
	s2 =	sadd.s32 s3, s2  }
0x8d: {  	s2 =	sadd.s32 s2, s17  }
0x8e: {  	[smem:$0x3FC2] =	sst s2  }
0x8f: {  	_ = 	snop  }
0x90: {  	s2 =	sld [smem:$0x3FC9]  }
0x91: {  	s18 =	sld [smem:$0x3FD0];
	(tm) =	ssettm $0x1  }
0x92: {  	s4 =	sld [smem:$0x3FFB];
	_ =	sdelay $0x3  }
0x93: {  	_ =	strace s4  }
0x94: {  	s4 =	sld [smem:$0x3FFC];
	_ =	sdelay $0x3  }
0x95: {  	_ =	strace s4  }
0x96: {  	s4 =	sld [smem:$0x3FFD];
	_ =	sdelay $0x3  }
0x97: {  	_ =	strace s4  }
0x98: {  	_ =	strace $0x8FFFFFFF  }
0x99: {  	s19 =	sld [smem:$0x3FDB];
	_ =	sdelay $0x1  }
0x9a: {  	s5 =	simm.s32 $_scs_section_size  }
0x9b: {  	s6 =	simm.s32 $_size__tile_overlayer_lowered;
	s7 =	simm.s32 $_tile_overlayer_lowered  }
0x9c: {  	s22 =	simm.s32 $0x1BFF;
	s21 =	sshll.u32 s7, $0x1;
	s4 =	sadd.s32 s5, s19  }
0x9d: {  	s8 =	simm.s32 $0x0;
	s20 =	sshll.u32 s6, $0x1;
	s6 =	sadd.s32 s21, s4  }
0x9e: {  	[timem:s8], [sflag:s22] =	dma.local [hbm:s6], s20  }
0x9f: {  	_ =	swait.ge [sflag:s22], s20  }
0xa0: {  	s5 =	ssub.s32 $0x0, s20;
	[sflag:s22] =	ssyncset.done $0x0  }
0xa1: {  	[sflag:s22] =	ssyncadd.s32 s5;
	_ =	sdelay $0x1  }
0xa2: {  	s23 =	simm.s32 $0x1B8B  }
0xa3: {  	_ =	swait.ge [sflag:s23], $0x1  }
0xa4: {  	[sflag:s23] =	ssyncset.done $0x0  }
0xa5: {  	s25 =	simm.s32 $0x1B8E;
	s24 =	sld [smem:$0x3FFE];
	[sflag:s23] =	ssyncadd.s32 $0xFFFFFFFF  }
0xa6: {  	s26 =	simm.s32 $execute0_lowered;
	[smem:$0x3FD2] =	sst s25  }
0xa7: {  	s6 =	sshll.u32 s26, $0x1;
	_ =	strace $0x80000046;
	[dreg:$0x1] =	wrdreg $0xFFFFFFFF  }
0xa8: {  	s28 =	simm.s32 $_size_execute0_lowered;
	s4 =	sadd.s32 s4, s6;
	[dreg:$0x0] =	wrdreg $0x0  }
0xa9: {  	s6 =	sshll.u32 s28, $0x1;
	[dreg:$0x2] =	wrdreg s4  }
0xaa: {  	[dreg:$0x3] =	wrdreg s6  }
0xab: {  	[dreg:$0x4] =	wrdreg $0xC0  }
0xac: {  	_ =	task [dreg:s8], $0x5FFFF  }
0xad: {  	[dreg:$0x1] =	wrdreg $0xFFFFFFFF  }
0xae: {  	[dreg:$0x0] =	wrdreg $0x60  }
0xaf: {  	[dreg:$0x2] =	wrdreg s2  }
0xb0: {  	[dreg:$0x3] =	wrdreg s18  }
0xb1: {  	[dreg:$0x4] =	wrdreg s24  }
0xb2: {  	[dreg:$0x5] =	wrdreg $0xB7000  }
0xb3: {  	[dreg:$0x6] =	wrdreg $0x9  }
0xb4: {  	_ =	task.clear_ibuf [dreg:s8], $0x7FFFF;
	_ =	strace $0x90000046  }
0xb5: {  	s29 =	simm.s32 $0x9;
	_ =	strace $0x80000048  }
0xb6: {  	_ =	swait.ge [sflag:s29], $0x1  }
0xb7: {  	[sflag:s29] =	ssyncadd.s32 $0xFFFFFFFF  }
0xb8: {  	_ =	strace $0x90000048  }
0xb9: {  	_ =	sfence  }
0xba: {  	s30 =	sld [smem:$0x0];
	_ =	sdelay $0x2  }
0xbb: {  	s31 =	sshll.u32 s1, $0xD;
	s1 =	sshrl.u32 s1, $0x2  }
0xbc: {  	s3 =	sand.u32 $0x4000, s31;
	s1 =	sadd.s32 s1, s30  }
0xbd: {  	s0 =	sor.u32 s3, s0;
	s1 =	sshll.u32 s1, $0x11  }
0xbe: {  	s0 =	sor.u32 s1, s0  }
0xbf: {  	s0 =	sadd.s32 $0x8F2B, s0  }
0xc0: {  	[sflag:s0] =	ssyncadd.remote.s32 $0x1  }
0xc1: {  	_ =	sfence.sel $0xFFFF  }
0xc2: {  	[dreg:$0x0] =	wrdreg $0xFFFFFFFF;
	(pc) =	sbr.abs _section_cstart, $3  }
0xc3: {  	[dreg:$0x1] =	wrdreg $0xFFFFFFFF  }
0xc4: {  	_ =	task.clear_ibuf [dreg:s8], $0x2FFFF;
	_ =	strace $0x9FFFFFFF  }
0xc5: {  	(tm) =	ssettm $0x7FFFFFFF  }
tec
execute0_lowered:
.L_overlay_start_1:
0x0: {  	(tag) =	ssettag $0x1  }
0x1: {  	s0 =	rddreg [dreg:$0x0]  }
0x2: {  	s1 =	rddreg [dreg:$0x1]  }
0x3: {  	s3 =	rddreg [dreg:$0x2]  }
0x4: {  	s2 =	rddreg [dreg:$0x3];
	s4 =	srdreg.scid  }
0x5: {  	s5 =	simm.s32 $0x0;
	s15 =	stileid.u32;
	s4 =	sand.u32 $0x1, s4  }
0x6: {  	[smem:$0x7FF] =	sst s5;
	s6 =	smul.u32 $0x13C00, s15;
	s3 =	sadd.s32 $0x1200, s3  }
0x7: {  	s9 =	sshll.u32 s4, $0x4;
	s7 =	ssub.s32 $0x2, s4;
	s4 =	smul.u32 $0x13C000, s4  }
0x8: {  	s5 =	sor.u32 s15, s9;
	s8 =	sshrl.u32 s7, $0x1;
	s9 =	sadd.s32 $0x12000, s6  }
0x9: {  	s19 =	sadd.s32 $0x8000, s6;
	s24 =	sadd.s32 $0xE000, s6;
	s15 =	smul.u32 $0x4F000, s15  }
0xa: {  	s5 =	smul.u32 $0xA80, s5;
	s7 =	ssub.s32 s7, s8;
	s10 =	sadd.s32 s4, s9  }
0xb: {  	s12 =	sadd.s32 s4, s6;
	s8 =	sadd.s32 $0x4000, s6;
	s20 =	sadd.s32 s4, s19  }
0xc: {  	s25 =	sadd.s32 s4, s24;
	s11 =	sshrl.u32 s10, $0x3;
	s13 =	sshrl.u32 s12, $0x3  }
0xd: {  	s10 =	sadd.s32 s4, s8;
	s12 =	sadd.s32 $0xA000, s6;
	s1 =	sadd.s32 s1, s5  }
0xe: {  	s5 =	sadd.s32 $0x2000, s6;
	s16 =	sshrl.u32 s10, $0x3;
	s10 =	simm.s32 $0x7700  }
0xf: {  	[dreg:$0x5] =	wrdreg s1;
	s1 =	sadd.s32 s3, s11;
	s14 =	sadd.s32 s4, s5  }
0x10: {  	s11 =	sadd.s32 $0x6000, s6;
	[dreg:$0x6] =	wrdreg s1;
	s1 =	sadd.s32 s3, s13  }
0x11: {  	s17 =	sadd.s32 s4, s11;
	s13 =	sadd.s32 s4, s12;
	s11 =	sadd.s32 s11, s2  }
0x12: {  	[dreg:$0x7] =	wrdreg s1;
	s1 =	sshrl.u32 s14, $0x3;
	s18 =	sshrl.u32 s17, $0x3  }
0x13: {  	s14 =	sadd.s32 $0xC000, s6;
	s21 =	sshrl.u32 s13, $0x3;
	s6 =	sadd.s32 $0x10000, s6  }
0x14: {  	s17 =	sadd.s32 s9, s2;
	s9 =	sadd.s32 s8, s2;
	s8 =	simm.s32 $0x5400  }
0x15: {  	s1 =	sadd.s32 s3, s1;
	s22 =	sadd.s32 s4, s14;
	s4 =	sadd.s32 s4, s6  }
0x16: {  	s6 =	sadd.s32 s6, s2;
	[dreg:$0x8] =	wrdreg s1;
	s1 =	sadd.s32 s3, s16  }
0x17: {  	s23 =	sshrl.u32 s22, $0x3;
	[dreg:$0x9] =	wrdreg s1;
	s1 =	sadd.s32 s3, s18  }
0x18: {  	s26 =	sshrl.u32 s4, $0x3;
	[dreg:$0xa] =	wrdreg s1;
	s1 =	sshrl.u32 s20, $0x3  }
0x19: {  	s4 =	smax.u32 s7, $0x1;
	s7 =	sadd.s32 s5, s2;
	s1 =	sadd.s32 s3, s1  }
0x1a: {  	s22 =	sshrl.u32 s11, $0x3;
	[dreg:$0xb] =	wrdreg s1;
	s1 =	sadd.s32 s3, s21  }
0x1b: {  	s5 =	simm.s32 $0x5700;
	[dreg:$0xc] =	wrdreg s1;
	s1 =	sadd.s32 s3, s23  }
0x1c: {  	s11 =	simm.s32 $0x5600;
	[dreg:$0xd] =	wrdreg s1;
	s1 =	sshrl.u32 s25, $0x3  }
0x1d: {  	s18 =	sadd.s32 s12, s2;
	s12 =	simm.s32 $0x9700;
	s1 =	sadd.s32 s3, s1  }
0x1e: {  	s20 =	sadd.s32 s24, s2;
	[dreg:$0xe] =	wrdreg s1;
	s1 =	sadd.s32 s3, s26  }
0x1f: {  	s24 =	sshrl.u32 s18, $0x3;
	s18 =	simm.s32 $0x2;
	[dreg:$0xf] =	wrdreg s1  }
0x20: {  	s1 =	sshrl.u32 s7, $0x3;
	_ =	strace $0x80000047;
	[dreg:$0x10] =	wrdreg s4  }
0x21: {  	s21 =	sshrl.u32 s9, $0x3;
	s9 =	simm.s32 $0x5500;
	[dreg:$0x11] =	wrdreg s1  }
0x22: {  	s3 =	sshrl.u32 s15, $0x2;
	s15 =	sadd.s32 s19, s2;
	[dreg:$0x12] =	wrdreg s21  }
0x23: {  	s19 =	sadd.s32 s14, s2;
	s23 =	sshrl.u32 s15, $0x3;
	[dreg:$0x13] =	wrdreg s22  }
0x24: {  	s26 =	sshrl.u32 s20, $0x3;
	s14 =	simm.s32 $0x1;
	[dreg:$0x14] =	wrdreg s23  }
0x25: {  	s20 =	simm.s32 $0x3;
	s25 =	sshrl.u32 s19, $0x3;
	[dreg:$0x15] =	wrdreg s24  }
0x26: {  	s16 =	sadd.s32 s3, s2;
	s7 =	simm.s32 $0x40;
	[dreg:$0x16] =	wrdreg s25  }
0x27: {  	s15 =	simm.s32 $0x5480;
	s19 =	simm.s32 $0x5580;
	[dreg:$0x17] =	wrdreg s26  }
0x28: {  	s26 =	sshrl.u32 s6, $0x3;
	s28 =	sadd.s32 $0x2000, s16;
	s29 =	sadd.s32 $0x4000, s16  }
0x29: {  	s30 =	sadd.s32 $0x6000, s16;
	s31 =	sadd.s32 $0x8000, s16;
	s13 =	sadd.s32 $0xA000, s16  }
0x2a: {  	s3 =	sadd.s32 $0xC000, s16;
	s1 =	sadd.s32 $0xE000, s16;
	s4 =	sadd.s32 $0x10000, s16  }
0x2b: {  	v0 =	vimm.f32 $0.0e+00;
	s6 =	simm.s32 $0x4;
	s21 =	simm.s32 $0x5680;
	s22 =	simm.s32 $0x0  }
.LBB2_1:
0x2c: {  	s23 =	simm.s32 $0x0;
	s24 =	simm.s32 $0x200  }
.LBB2_2:
0x2d: {  	p0 =	sne.s32 s24, $0x7E00;
	[tilespmem:s23+$0x5770] =	vst v0  }
0x2e: {  	[tilespmem:s23+$0x5700] =	vst v0  }
0x2f: {  	[tilespmem:s23+$0x5710] =	vst v0  }
.Ltmp0:
0x30: {  	[tilespmem:s23+$0x5720] =	vst v0;
	(pc) =	sbr.rel @p0 .LBB2_2-.Ltmp0, $4  }
0x31: {  	[tilespmem:s23+$0x5730] =	vst v0  }
0x32: {  	[tilespmem:s23+$0x5740] =	vst v0  }
0x33: {  	[tilespmem:s23+$0x5750] =	vst v0  }
0x34: {  	[tilespmem:s23+$0x5760] =	vst v0;
	s23 =	sshra.s32 s24, $0x2;
	s24 =	sadd.s32 $0x200, s24  }
0x35: {  	[tilespmem:s23+$0x5770] =	vst v0  }
0x36: {  	[tilespmem:s23+$0x5700] =	vst v0  }
0x37: {  	[tilespmem:s23+$0x5710] =	vst v0  }
0x38: {  	[tilespmem:s23+$0x5720] =	vst v0  }
0x39: {  	[tilespmem:s23+$0x5730] =	vst v0  }
0x3a: {  	[tilespmem:s23+$0x5740] =	vst v0  }
0x3b: {  	[tilespmem:s23+$0x5750] =	vst v0  }
0x3c: {  	[tilespmem:s23+$0x5760] =	vst v0  }
0x3d: {  	[spmem:s16] =	stream.linear.scatter [tilespmem:s5], [sflag:$0x4], $0x2000, $0x38;
	[tilespmem:$0x1F300] =	vst v63  }
0x3e: {  	_ =	swait.ge [sflag:s6], $0x2000  }
0x3f: {  	[sflag:s6] =	ssyncset.done $0x0  }
0x40: {  	[sflag:s6] =	ssyncadd.s32 $0xFFFFE000  }
0x41: {  	[spmem:s28] =	stream.linear.scatter [tilespmem:s5], [sflag:$0x4], $0x2000, $0x38;
	[tilespmem:$0x1F300] =	vst v63  }
0x42: {  	_ =	swait.ge [sflag:s6], $0x2000  }
0x43: {  	[sflag:s6] =	ssyncset.done $0x0  }
0x44: {  	[sflag:s6] =	ssyncadd.s32 $0xFFFFE000  }
0x45: {  	[spmem:s29] =	stream.linear.scatter [tilespmem:s5], [sflag:$0x4], $0x2000, $0x38;
	[tilespmem:$0x1F300] =	vst v63  }
0x46: {  	_ =	swait.ge [sflag:s6], $0x2000  }
0x47: {  	[sflag:s6] =	ssyncset.done $0x0  }
0x48: {  	[sflag:s6] =	ssyncadd.s32 $0xFFFFE000  }
0x49: {  	[spmem:s30] =	stream.linear.scatter [tilespmem:s5], [sflag:$0x4], $0x2000, $0x38;
	[tilespmem:$0x1F300] =	vst v63  }
0x4a: {  	_ =	swait.ge [sflag:s6], $0x2000  }
0x4b: {  	[sflag:s6] =	ssyncset.done $0x0  }
0x4c: {  	[sflag:s6] =	ssyncadd.s32 $0xFFFFE000  }
0x4d: {  	[spmem:s31] =	stream.linear.scatter [tilespmem:s5], [sflag:$0x4], $0x2000, $0x38;
	[tilespmem:$0x1F300] =	vst v63  }
0x4e: {  	_ =	swait.ge [sflag:s6], $0x2000  }
0x4f: {  	[sflag:s6] =	ssyncset.done $0x0  }
0x50: {  	[sflag:s6] =	ssyncadd.s32 $0xFFFFE000  }
0x51: {  	[spmem:s13] =	stream.linear.scatter [tilespmem:s5], [sflag:$0x4], $0x2000, $0x38;
	[tilespmem:$0x1F300] =	vst v63  }
0x52: {  	_ =	swait.ge [sflag:s6], $0x2000  }
0x53: {  	[sflag:s6] =	ssyncset.done $0x0  }
0x54: {  	[sflag:s6] =	ssyncadd.s32 $0xFFFFE000  }
0x55: {  	[spmem:s3] =	stream.linear.scatter [tilespmem:s5], [sflag:$0x4], $0x2000, $0x38;
	[tilespmem:$0x1F300] =	vst v63  }
0x56: {  	_ =	swait.ge [sflag:s6], $0x2000  }
0x57: {  	[sflag:s6] =	ssyncset.done $0x0  }
0x58: {  	[sflag:s6] =	ssyncadd.s32 $0xFFFFE000  }
0x59: {  	[spmem:s1] =	stream.linear.scatter [tilespmem:s5], [sflag:$0x4], $0x2000, $0x38;
	[tilespmem:$0x1F300] =	vst v63  }
0x5a: {  	_ =	swait.ge [sflag:s6], $0x2000  }
0x5b: {  	[sflag:s6] =	ssyncset.done $0x0  }
0x5c: {  	[sflag:s6] =	ssyncadd.s32 $0xFFFFE000  }
0x5d: {  	[spmem:s4] =	stream.linear.scatter [tilespmem:s5], [sflag:$0x4], $0x2000, $0x38;
	[tilespmem:$0x1F300] =	vst v63  }
0x5e: {  	_ =	swait.ge [sflag:s6], $0x2000  }
0x5f: {  	[sflag:s6] =	ssyncset.done $0x0  }
0x60: {  	[sflag:s6] =	ssyncadd.s32 $0xFFFFE000  }
0x61: {  	[spmem:s17] =	stream.linear.scatter [tilespmem:s5], [sflag:$0x4], $0x1C00, $0x38;
	[tilespmem:$0x1F300] =	vst v63  }
0x62: {  	_ =	swait.ge [sflag:s6], $0x1C00  }
0x63: {  	[sflag:s6] =	ssyncset.done $0x0  }
0x64: {  	[sflag:s6] =	ssyncadd.s32 $0xFFFFE400  }
0x65: {  	[bflag:$0x0] =	sbarrier.arrive $0xFFFF  }
0x66: {  	s25 =	simm.s32 $0x0;
	s24 =	rddreg [dreg:$0x5]  }
0x67: {  	[tilespmem:s25], [sflag:$0x4] =	stream.linear.gather [hbm4b:s24+s25], $0x5380, $0x38;
	[tilespmem:$0x1F300] =	vst v63  }
0x68: {  	_ =	swait.ge [sflag:s6], $0x5380  }
0x69: {  	[sflag:s6] =	ssyncset.done $0x0  }
0x6a: {  	[sflag:s6] =	ssyncadd.s32 $0xFFFFAC80  }
0x6b: {  	v1 =	vld [tilespmem:$0x0];
	_ =	sdelay $0x1  }
0x6c: {  	v2 =	vld [tilespmem:$0x10];
	_ =	sdelay $0x1  }
0x6d: {  	v3 =	vld [tilespmem:$0x20]  }
0x6e: {  	v4 =	vand.u32 $0xFFFF, v1  }
0x6f: {  	v59 =	vld [tilespmem:$0x30];
	v1 =	vshrl.u32 v1, $0x10;
	[tilespmem:$0x5400] =	vst v4  }
0x70: {  	[tilespmem:$0x5480] =	vst v1;
	v1 =	vand.u32 $0xFFFF, v2  }
0x71: {  	[tilespmem:$0x5410] =	vst v1;
	v1 =	vshrl.u32 v2, $0x10  }
0x72: {  	[tilespmem:$0x5490] =	vst v1;
	v1 =	vand.u32 $0xFFFF, v3  }
0x73: {  	[tilespmem:$0x5420] =	vst v1;
	v1 =	vshrl.u32 v3, $0x10  }
0x74: {  	[tilespmem:$0x54A0] =	vst v1;
	v1 =	vand.u32 $0xFFFF, v59  }
0x75: {  	[tilespmem:$0x5430] =	vst v1;
	v1 =	vshrl.u32 v59, $0x10  }
0x76: {  	[tilespmem:$0x54B0] =	vst v1  }
0x77: {  	[tilespmem:s5], [sflag:$0x1] =	stream.indirect.gather [hbm4b:s0+s7], $0x80, s8, s7, $0xb8;
	[tilespmem:$0x1F300] =	vst v63  }
0x78: {  	v1 =	vld [tilespmem:$0x80];
	_ =	sdelay $0x1  }
0x79: {  	v2 =	vld [tilespmem:$0x90];
	_ =	sdelay $0x1  }
0x7a: {  	v3 =	vld [tilespmem:$0xA0]  }
0x7b: {  	v60 =	vand.u32 $0xFFFF, v1  }
0x7c: {  	v61 =	vld [tilespmem:$0xB0];
	v1 =	vshrl.u32 v1, $0x10;
	[tilespmem:$0x5500] =	vst v60  }
0x7d: {  	[tilespmem:$0x5580] =	vst v1;
	v1 =	vand.u32 $0xFFFF, v2  }
0x7e: {  	[tilespmem:$0x5510] =	vst v1;
	v1 =	vshrl.u32 v2, $0x10  }
0x7f: {  	[tilespmem:$0x5590] =	vst v1;
	v1 =	vand.u32 $0xFFFF, v3  }
0x80: {  	[tilespmem:$0x5520] =	vst v1;
	v1 =	vshrl.u32 v3, $0x10  }
0x81: {  	[tilespmem:$0x55A0] =	vst v1;
	v1 =	vand.u32 $0xFFFF, v61  }
0x82: {  	[tilespmem:$0x5530] =	vst v1;
	v1 =	vshrl.u32 v61, $0x10  }
0x83: {  	[tilespmem:$0x55B0] =	vst v1  }
0x84: {  	[tilespmem:s10], [sflag:$0x2] =	stream.indirect.gather [hbm4b:s0+s7], $0x80, s9, s7, $0xb8;
	[tilespmem:$0x1F300] =	vst v63  }
0x85: {  	v1 =	vld [tilespmem:$0x100];
	_ =	sdelay $0x1  }
0x86: {  	v2 =	vld [tilespmem:$0x110];
	_ =	sdelay $0x1  }
0x87: {  	v3 =	vld [tilespmem:$0x120]  }
0x88: {  	v62 =	vand.u32 $0xFFFF, v1  }
0x89: {  	v63 =	vld [tilespmem:$0x130];
	v1 =	vshrl.u32 v1, $0x10;
	[tilespmem:$0x5600] =	vst v62  }
0x8a: {  	[tilespmem:$0x5680] =	vst v1;
	v1 =	vand.u32 $0xFFFF, v2  }
0x8b: {  	[tilespmem:$0x5610] =	vst v1;
	v1 =	vshrl.u32 v2, $0x10  }
0x8c: {  	[tilespmem:$0x5690] =	vst v1;
	v1 =	vand.u32 $0xFFFF, v3  }
0x8d: {  	[tilespmem:$0x5620] =	vst v1;
	v1 =	vshrl.u32 v3, $0x10  }
0x8e: {  	[tilespmem:$0x56A0] =	vst v1;
	v1 =	vand.u32 $0xFFFF, v63  }
0x8f: {  	[tilespmem:$0x5630] =	vst v1;
	v1 =	vshrl.u32 v63, $0x10  }
0x90: {  	[tilespmem:$0x56B0] =	vst v1  }
0x91: {  	[tilespmem:s12], [sflag:$0x3] =	stream.indirect.gather [hbm4b:s0+s7], $0x80, s11, s7, $0xb8;
	[tilespmem:$0x1F300] =	vst v63  }
0x92: {  	_ =	swait.ge [sflag:s14], $0x2000  }
0x93: {  	[sflag:s14] =	ssyncset.done $0x0  }
0x94: {  	[sflag:s14] =	ssyncadd.s32 $0xFFFFE000  }
0x95: {  	[spmem:s2] =	stream.indirect.scatter.add.f32 [tilespmem:s5], [sflag:$0x4], $0x80, s15, s7, $0xb8;
	[tilespmem:$0x1F300] =	vst v63  }
0x96: {  	_ =	swait.ge [sflag:s6], $0x2000  }
0x97: {  	[sflag:s6] =	ssyncset.done $0x0  }
0x98: {  	s23 =	simm.s32 $0x2B0;
	[sflag:s6] =	ssyncadd.s32 $0xFFFFE000  }
0x99: {  	v1 =	vld [tilespmem:s23+$0xFFFFFED0];
	_ =	sdelay $0x4  }
0x9a: {  	v2 =	vand.u32 $0xFFFF, v1  }
0x9b: {  	v1 =	vshrl.u32 v1, $0x10;
	[tilespmem:$0x5400] =	vst v2  }
0x9c: {  	[tilespmem:$0x5480] =	vst v1  }
0x9d: {  	v1 =	vld [tilespmem:s23+$0xFFFFFEE0];
	_ =	sdelay $0x4  }
0x9e: {  	v2 =	vand.u32 $0xFFFF, v1  }
0x9f: {  	v1 =	vshrl.u32 v1, $0x10;
	[tilespmem:$0x5410] =	vst v2  }
0xa0: {  	[tilespmem:$0x5490] =	vst v1  }
0xa1: {  	v1 =	vld [tilespmem:s23+$0xFFFFFEF0];
	_ =	sdelay $0x4  }
0xa2: {  	v2 =	vand.u32 $0xFFFF, v1  }
0xa3: {  	v1 =	vshrl.u32 v1, $0x10;
	[tilespmem:$0x5420] =	vst v2  }
0xa4: {  	[tilespmem:$0x54A0] =	vst v1  }
0xa5: {  	v1 =	vld [tilespmem:s23+$0xFFFFFF00];
	_ =	sdelay $0x4  }
0xa6: {  	v2 =	vand.u32 $0xFFFF, v1  }
0xa7: {  	v1 =	vshrl.u32 v1, $0x10;
	[tilespmem:$0x5430] =	vst v2  }
0xa8: {  	[tilespmem:$0x54B0] =	vst v1  }
0xa9: {  	[tilespmem:s5], [sflag:$0x1] =	stream.indirect.gather [hbm4b:s0+s7], $0x80, s8, s7, $0xb8;
	[tilespmem:$0x1F300] =	vst v63  }
0xaa: {  	_ =	swait.ge [sflag:s18], $0x2000  }
0xab: {  	[sflag:s18] =	ssyncset.done $0x0  }
0xac: {  	[sflag:s18] =	ssyncadd.s32 $0xFFFFE000  }
0xad: {  	[spmem:s2] =	stream.indirect.scatter.add.f32 [tilespmem:s10], [sflag:$0x4], $0x80, s19, s7, $0xb8;
	[tilespmem:$0x1F300] =	vst v63  }
0xae: {  	_ =	swait.ge [sflag:s6], $0x2000  }
0xaf: {  	[sflag:s6] =	ssyncset.done $0x0  }
0xb0: {  	[sflag:s6] =	ssyncadd.s32 $0xFFFFE000  }
0xb1: {  	v1 =	vld [tilespmem:s23+$0xFFFFFF50];
	_ =	sdelay $0x4  }
0xb2: {  	v2 =	vand.u32 $0xFFFF, v1  }
0xb3: {  	v1 =	vshrl.u32 v1, $0x10;
	[tilespmem:$0x5500] =	vst v2  }
0xb4: {  	[tilespmem:$0x5580] =	vst v1  }
0xb5: {  	v1 =	vld [tilespmem:s23+$0xFFFFFF60];
	_ =	sdelay $0x4  }
0xb6: {  	v2 =	vand.u32 $0xFFFF, v1  }
0xb7: {  	v1 =	vshrl.u32 v1, $0x10;
	[tilespmem:$0x5510] =	vst v2  }
0xb8: {  	[tilespmem:$0x5590] =	vst v1  }
0xb9: {  	v1 =	vld [tilespmem:s23+$0xFFFFFF70];
	_ =	sdelay $0x4  }
0xba: {  	v2 =	vand.u32 $0xFFFF, v1  }
0xbb: {  	v1 =	vshrl.u32 v1, $0x10;
	[tilespmem:$0x5520] =	vst v2  }
0xbc: {  	[tilespmem:$0x55A0] =	vst v1  }
0xbd: {  	v1 =	vld [tilespmem:s23+$0xFFFFFF80];
	_ =	sdelay $0x4  }
0xbe: {  	v2 =	vand.u32 $0xFFFF, v1  }
0xbf: {  	v1 =	vshrl.u32 v1, $0x10;
	[tilespmem:$0x5530] =	vst v2  }
0xc0: {  	[tilespmem:$0x55B0] =	vst v1  }
0xc1: {  	[tilespmem:s10], [sflag:$0x2] =	stream.indirect.gather [hbm4b:s0+s7], $0x80, s9, s7, $0xb8;
	[tilespmem:$0x1F300] =	vst v63  }
0xc2: {  	_ =	swait.ge [sflag:s20], $0x2000  }
0xc3: {  	[sflag:s20] =	ssyncset.done $0x0  }
0xc4: {  	[sflag:s20] =	ssyncadd.s32 $0xFFFFE000  }
0xc5: {  	[spmem:s2] =	stream.indirect.scatter.add.f32 [tilespmem:s12], [sflag:$0x4], $0x80, s21, s7, $0xb8;
	[tilespmem:$0x1F300] =	vst v63  }
0xc6: {  	_ =	swait.ge [sflag:s6], $0x2000  }
0xc7: {  	[sflag:s6] =	ssyncset.done $0x0  }
0xc8: {  	[sflag:s6] =	ssyncadd.s32 $0xFFFFE000  }
0xc9: {  	v1 =	vld [tilespmem:s23+$0xFFFFFFD0];
	_ =	sdelay $0x4  }
0xca: {  	v2 =	vand.u32 $0xFFFF, v1  }
0xcb: {  	v1 =	vshrl.u32 v1, $0x10;
	[tilespmem:$0x5600] =	vst v2  }
0xcc: {  	[tilespmem:$0x5680] =	vst v1  }
0xcd: {  	v1 =	vld [tilespmem:s23+$0xFFFFFFE0];
	_ =	sdelay $0x4  }
0xce: {  	v2 =	vand.u32 $0xFFFF, v1  }
0xcf: {  	v1 =	vshrl.u32 v1, $0x10;
	[tilespmem:$0x5610] =	vst v2  }
0xd0: {  	[tilespmem:$0x5690] =	vst v1  }
0xd1: {  	s24 =	simm.s32 $0x10C0;
	v1 =	vld [tilespmem:s23+$0xFFFFFFF0]  }
.LBB2_4:
0xd2: {  	_ =	sdelay $0x2  }
0xd3: {  	p0 =	sne.s32 s24, $0x142C0;
	s25 =	smov.u32 s24;
	s24 =	sadd.s32 $0x600, s24  }
0xd4: {  	v2 =	vand.u32 $0xFFFF, v1;
	v1 =	vshrl.u32 v1, $0x10  }
0xd5: {  	[tilespmem:$0x5620] =	vst v2  }
0xd6: {  	[tilespmem:$0x56A0] =	vst v1  }
0xd7: {  	v1 =	vld [tilespmem:s23+$0x0];
	_ =	sdelay $0x4  }
0xd8: {  	v2 =	vand.u32 $0xFFFF, v1;
	v1 =	vshrl.u32 v1, $0x10  }
0xd9: {  	[tilespmem:$0x5630] =	vst v2  }
0xda: {  	[tilespmem:$0x56B0] =	vst v1  }
0xdb: {  	[tilespmem:s12], [sflag:$0x3] =	stream.indirect.gather [hbm4b:s0+s7], $0x80, s11, s7, $0xb8;
	[tilespmem:$0x1F300] =	vst v63  }
0xdc: {  	_ =	swait.ge [sflag:s14], $0x2000  }
0xdd: {  	[sflag:s14] =	ssyncset.done $0x0  }
0xde: {  	[sflag:s14] =	ssyncadd.s32 $0xFFFFE000  }
0xdf: {  	[spmem:s2] =	stream.indirect.scatter.add.f32 [tilespmem:s5], [sflag:$0x4], $0x80, s15, s7, $0xb8;
	[tilespmem:$0x1F300] =	vst v63  }
0xe0: {  	_ =	swait.ge [sflag:s6], $0x2000  }
0xe1: {  	[sflag:s6] =	ssyncset.done $0x0  }
0xe2: {  	s23 =	sshra.s32 s25, $0x2;
	[sflag:s6] =	ssyncadd.s32 $0xFFFFE000  }
0xe3: {  	v1 =	vld [tilespmem:s23+$0xFFFFFED0];
	_ =	sdelay $0x4  }
0xe4: {  	v2 =	vand.u32 $0xFFFF, v1;
	v1 =	vshrl.u32 v1, $0x10  }
0xe5: {  	[tilespmem:$0x5400] =	vst v2  }
0xe6: {  	[tilespmem:$0x5480] =	vst v1  }
0xe7: {  	v1 =	vld [tilespmem:s23+$0xFFFFFEE0];
	_ =	sdelay $0x4  }
0xe8: {  	v2 =	vand.u32 $0xFFFF, v1;
	v1 =	vshrl.u32 v1, $0x10  }
0xe9: {  	[tilespmem:$0x5410] =	vst v2  }
0xea: {  	[tilespmem:$0x5490] =	vst v1  }
0xeb: {  	v1 =	vld [tilespmem:s23+$0xFFFFFEF0];
	_ =	sdelay $0x4  }
0xec: {  	v2 =	vand.u32 $0xFFFF, v1;
	v1 =	vshrl.u32 v1, $0x10  }
0xed: {  	[tilespmem:$0x5420] =	vst v2  }
0xee: {  	[tilespmem:$0x54A0] =	vst v1  }
0xef: {  	v1 =	vld [tilespmem:s23+$0xFFFFFF00];
	_ =	sdelay $0x4  }
0xf0: {  	v2 =	vand.u32 $0xFFFF, v1;
	v1 =	vshrl.u32 v1, $0x10  }
0xf1: {  	[tilespmem:$0x5430] =	vst v2  }
0xf2: {  	[tilespmem:$0x54B0] =	vst v1  }
0xf3: {  	[tilespmem:s5], [sflag:$0x1] =	stream.indirect.gather [hbm4b:s0+s7], $0x80, s8, s7, $0xb8;
	[tilespmem:$0x1F300] =	vst v63  }
0xf4: {  	_ =	swait.ge [sflag:s18], $0x2000  }
0xf5: {  	[sflag:s18] =	ssyncset.done $0x0  }
0xf6: {  	[sflag:s18] =	ssyncadd.s32 $0xFFFFE000  }
0xf7: {  	[spmem:s2] =	stream.indirect.scatter.add.f32 [tilespmem:s10], [sflag:$0x4], $0x80, s19, s7, $0xb8;
	[tilespmem:$0x1F300] =	vst v63  }
0xf8: {  	_ =	swait.ge [sflag:s6], $0x2000  }
0xf9: {  	[sflag:s6] =	ssyncset.done $0x0  }
0xfa: {  	[sflag:s6] =	ssyncadd.s32 $0xFFFFE000  }
0xfb: {  	v1 =	vld [tilespmem:s23+$0xFFFFFF50];
	_ =	sdelay $0x4  }
0xfc: {  	v2 =	vand.u32 $0xFFFF, v1;
	v1 =	vshrl.u32 v1, $0x10  }
0xfd: {  	[tilespmem:$0x5500] =	vst v2  }
0xfe: {  	[tilespmem:$0x5580] =	vst v1  }
0xff: {  	v1 =	vld [tilespmem:s23+$0xFFFFFF60];
	_ =	sdelay $0x4  }
0x100: {  	v2 =	vand.u32 $0xFFFF, v1;
	v1 =	vshrl.u32 v1, $0x10  }
0x101: {  	[tilespmem:$0x5510] =	vst v2  }
0x102: {  	[tilespmem:$0x5590] =	vst v1  }
0x103: {  	v1 =	vld [tilespmem:s23+$0xFFFFFF70];
	_ =	sdelay $0x4  }
0x104: {  	v2 =	vand.u32 $0xFFFF, v1;
	v1 =	vshrl.u32 v1, $0x10  }
0x105: {  	[tilespmem:$0x5520] =	vst v2  }
0x106: {  	[tilespmem:$0x55A0] =	vst v1  }
0x107: {  	v1 =	vld [tilespmem:s23+$0xFFFFFF80];
	_ =	sdelay $0x4  }
0x108: {  	v2 =	vand.u32 $0xFFFF, v1;
	v1 =	vshrl.u32 v1, $0x10  }
0x109: {  	[tilespmem:$0x5530] =	vst v2  }
0x10a: {  	[tilespmem:$0x55B0] =	vst v1  }
0x10b: {  	[tilespmem:s10], [sflag:$0x2] =	stream.indirect.gather [hbm4b:s0+s7], $0x80, s9, s7, $0xb8;
	[tilespmem:$0x1F300] =	vst v63  }
0x10c: {  	_ =	swait.ge [sflag:s20], $0x2000  }
0x10d: {  	[sflag:s20] =	ssyncset.done $0x0  }
0x10e: {  	[sflag:s20] =	ssyncadd.s32 $0xFFFFE000  }
0x10f: {  	[spmem:s2] =	stream.indirect.scatter.add.f32 [tilespmem:s12], [sflag:$0x4], $0x80, s21, s7, $0xb8;
	[tilespmem:$0x1F300] =	vst v63  }
0x110: {  	_ =	swait.ge [sflag:s6], $0x2000  }
0x111: {  	[sflag:s6] =	ssyncset.done $0x0  }
0x112: {  	[sflag:s6] =	ssyncadd.s32 $0xFFFFE000  }
0x113: {  	v1 =	vld [tilespmem:s23+$0xFFFFFFD0];
	_ =	sdelay $0x4  }
0x114: {  	v2 =	vand.u32 $0xFFFF, v1;
	v1 =	vshrl.u32 v1, $0x10  }
0x115: {  	[tilespmem:$0x5600] =	vst v2  }
0x116: {  	[tilespmem:$0x5680] =	vst v1  }
0x117: {  	v1 =	vld [tilespmem:s23+$0xFFFFFFE0];
	_ =	sdelay $0x3  }
.Ltmp1:
0x118: {  	(pc) =	sbr.rel @p0 .LBB2_4-.Ltmp1, $4  }
0x119: {  	v2 =	vand.u32 $0xFFFF, v1;
	v1 =	vshrl.u32 v1, $0x10  }
0x11a: {  	[tilespmem:$0x5610] =	vst v2  }
0x11b: {  	[tilespmem:$0x5690] =	vst v1  }
0x11c: {  	v1 =	vld [tilespmem:s23+$0xFFFFFFF0]  }
0x11d: {  	_ =	sdelay $0x3  }
0x11e: {  	v2 =	vand.u32 $0xFFFF, v1  }
0x11f: {  	v1 =	vshrl.u32 v1, $0x10;
	[tilespmem:$0x5620] =	vst v2  }
0x120: {  	[tilespmem:$0x56A0] =	vst v1  }
0x121: {  	v1 =	vld [tilespmem:s23+$0x0];
	_ =	sdelay $0x4  }
0x122: {  	v2 =	vand.u32 $0xFFFF, v1  }
0x123: {  	v1 =	vshrl.u32 v1, $0x10;
	[tilespmem:$0x5630] =	vst v2  }
0x124: {  	[tilespmem:$0x56B0] =	vst v1  }
0x125: {  	[tilespmem:s12], [sflag:$0x3] =	stream.indirect.gather [hbm4b:s0+s7], $0x80, s11, s7, $0xb8;
	[tilespmem:$0x1F300] =	vst v63  }
0x126: {  	_ =	swait.ge [sflag:s14], $0x2000  }
0x127: {  	[sflag:s14] =	ssyncset.done $0x0  }
0x128: {  	[sflag:s14] =	ssyncadd.s32 $0xFFFFE000  }
0x129: {  	_ =	swait.ge [sflag:s18], $0x2000  }
0x12a: {  	[sflag:s18] =	ssyncset.done $0x0  }
0x12b: {  	[sflag:s18] =	ssyncadd.s32 $0xFFFFE000  }
0x12c: {  	_ =	swait.ge [sflag:s20], $0x2000  }
0x12d: {  	[sflag:s20] =	ssyncset.done $0x0  }
0x12e: {  	s24 =	stileid.u32;
	[sflag:s20] =	ssyncadd.s32 $0xFFFFE000  }
0x12f: {  	s23 =	sshll.u32 s24, $0x6;
	[bflag:$0x0] =	sbarrier.arrive $0xFFFF  }
0x130: {  	s24 =	sshrl.u32 s16, $0x3;
	s23 =	sor.u32 $0x1C04, s23;
	s25 =	rddreg [dreg:$0x7]  }
0x131: {  	[hbm:s25], [sflag:s23] =	dma.local [spmem:s24], $0x400  }
0x132: {  	_ =	swait.ge [sflag:s6], $0x400  }
0x133: {  	[sflag:s6] =	ssyncset.done $0x0;
	s24 =	rddreg [dreg:$0x8]  }
0x134: {  	s25 =	rddreg [dreg:$0x11];
	[sflag:s6] =	ssyncadd.s32 $0xFFFFFC00  }
0x135: {  	[hbm:s24], [sflag:s23] =	dma.local [spmem:s25], $0x400  }
0x136: {  	_ =	swait.ge [sflag:s6], $0x400  }
0x137: {  	[sflag:s6] =	ssyncset.done $0x0;
	s24 =	rddreg [dreg:$0x9]  }
0x138: {  	s25 =	rddreg [dreg:$0x12];
	[sflag:s6] =	ssyncadd.s32 $0xFFFFFC00  }
0x139: {  	[hbm:s24], [sflag:s23] =	dma.local [spmem:s25], $0x400  }
0x13a: {  	_ =	swait.ge [sflag:s6], $0x400  }
0x13b: {  	[sflag:s6] =	ssyncset.done $0x0;
	s24 =	rddreg [dreg:$0xa]  }
0x13c: {  	s25 =	rddreg [dreg:$0x13];
	[sflag:s6] =	ssyncadd.s32 $0xFFFFFC00  }
0x13d: {  	[hbm:s24], [sflag:s23] =	dma.local [spmem:s25], $0x400  }
0x13e: {  	_ =	swait.ge [sflag:s6], $0x400  }
0x13f: {  	[sflag:s6] =	ssyncset.done $0x0;
	s24 =	rddreg [dreg:$0xb]  }
0x140: {  	s25 =	rddreg [dreg:$0x14];
	[sflag:s6] =	ssyncadd.s32 $0xFFFFFC00  }
0x141: {  	[hbm:s24], [sflag:s23] =	dma.local [spmem:s25], $0x400  }
0x142: {  	_ =	swait.ge [sflag:s6], $0x400  }
0x143: {  	[sflag:s6] =	ssyncset.done $0x0;
	s24 =	rddreg [dreg:$0xc]  }
0x144: {  	s25 =	rddreg [dreg:$0x15];
	[sflag:s6] =	ssyncadd.s32 $0xFFFFFC00  }
0x145: {  	[hbm:s24], [sflag:s23] =	dma.local [spmem:s25], $0x400  }
0x146: {  	_ =	swait.ge [sflag:s6], $0x400  }
0x147: {  	[sflag:s6] =	ssyncset.done $0x0;
	s24 =	rddreg [dreg:$0xd]  }
0x148: {  	s25 =	rddreg [dreg:$0x16];
	[sflag:s6] =	ssyncadd.s32 $0xFFFFFC00  }
0x149: {  	[hbm:s24], [sflag:s23] =	dma.local [spmem:s25], $0x400  }
0x14a: {  	_ =	swait.ge [sflag:s6], $0x400  }
0x14b: {  	[sflag:s6] =	ssyncset.done $0x0;
	s24 =	rddreg [dreg:$0xe]  }
0x14c: {  	s25 =	rddreg [dreg:$0x17];
	[sflag:s6] =	ssyncadd.s32 $0xFFFFFC00  }
0x14d: {  	[hbm:s24], [sflag:s23] =	dma.local [spmem:s25], $0x400  }
0x14e: {  	_ =	swait.ge [sflag:s6], $0x400  }
0x14f: {  	[sflag:s6] =	ssyncset.done $0x0  }
0x150: {  	s25 =	rddreg [dreg:$0xf];
	[sflag:s6] =	ssyncadd.s32 $0xFFFFFC00  }
0x151: {  	[hbm:s25], [sflag:s23] =	dma.local [spmem:s26], $0x400  }
0x152: {  	_ =	swait.ge [sflag:s6], $0x400  }
0x153: {  	[sflag:s6] =	ssyncset.done $0x0  }
0x154: {  	s24 =	sshrl.u32 s17, $0x3;
	s25 =	rddreg [dreg:$0x6];
	[sflag:s6] =	ssyncadd.s32 $0xFFFFFC00  }
0x155: {  	[hbm:s25], [sflag:s23] =	dma.local [spmem:s24], $0x380  }
0x156: {  	_ =	swait.ge [sflag:s6], $0x380  }
0x157: {  	s22 =	sadd.s32 $0x1, s22;
	s25 =	rddreg [dreg:$0x10]  }
0x158: {  	p0 =	sne.s32 s22, s25  }
.Ltmp2:
0x159: {  	_ = 	snop;
	(pc) =	sbr.rel @p0 .LBB2_1-.Ltmp2, $3  }
0x15a: {  	_ =	sdelay $0x1  }
0x15b: {  	[sflag:s6] =	ssyncset.done $0x0  }
0x15c: {  	[sflag:s6] =	ssyncadd.s32 $0xFFFFFC80  }
0x15d: {  	_ =	sfence.sel $0x180000  }
0x15e: {  	[bflag:$0x0] =	sbarrier.arrive $0xFFFF  }
0x15f: {  	_ =	strace $0x90000047  }
0x160: {  	s0 =	stileid.u32;
	[bflag:$0x2] =	sbarrier.arrive $0xFFFF  }
0x161: {  	p0 =	sne.s32 s0, $0x0;
	s0 =	rddreg [dreg:$0x4]  }
0x162: {  	s0 =	sadd.s32 @!p0 $0x100000, s0  }
0x163: {  	[sflag:s0] =	ssyncadd.tile.s32 @!p0 $0x1;
	_ =	shalt  }
.Lfunc_end2:
_tile_overlayer_lowered:
.L_overlay_start_2:
0x164: {  	(tag) =	ssettag $0x2  }
0x165: {  	s0 =	rddreg [dreg:$0x0];
	s2 =	stileid.u32  }
0x166: {  	s1 =	rddreg [dreg:$0x1];
	p0 =	sne.s32 s2, $0x0  }
0x167: {  	s3 =	rddreg [dreg:$0x2];
	[bflag:$0x3] =	sbarrier.arrive $0xFFFF;
	s2 =	simm.s32 @!p0 $0x1C04  }
0x168: {  	[timem:s3], [sflag:s2] =	dma.local @!p0 [hbm:s0], s1  }
0x169: {  	s0 =	simm.s32 @!p0 $0x4  }
0x16a: {  	_ =	swait.ge @!p0 [sflag:s0], s1  }
0x16b: {  	s1 =	ssub.s32 @!p0 $0x0, s1;
	[sflag:s0] =	ssyncset.done @!p0 $0x0  }
0x16c: {  	[sflag:s0] =	ssyncadd.s32 @!p0 s1  }
0x16d: {  	[bflag:$0x3] =	sbarrier.arrive $0xFFFF  }
0x16e: {  	_ =	shalt  }

</sc_bundles>
